<compile_context>
chip_gen: v7x
topology: tpu7x:2x2x1
jax: 0.10.2.dev20260603
libtpu: 0.0.44.dev20260713+nightly
codegen_flags: <defaults>
</compile_context>

<pallas_src>
import functools

import jax
import jax.numpy as jnp
from jax import lax
from jax.experimental import pallas as pl
from jax.experimental.pallas import tpu as pltpu
from jax.experimental.pallas import tpu_sc as plsc

_VOCAB = 100000
_EMB = 64
_B = 1024
_CTX = 20

_BM = 32
_NM = _B // _BM

_NC = 2
_NS = 16
_NW = _NC * _NS
_BPW = _B // _NW
_IPW = _BPW * _CTX
_CH = 128
_NCH = _IPW // _CH


def _embsum_sc(x, W_emb):
    x3 = x.reshape(_NW, _NCH, _CH)
    mesh = plsc.VectorSubcoreMesh(
        core_axis_name="c", subcore_axis_name="s",
        num_cores=_NC, num_subcores=_NS)

    @functools.partial(
        pl.kernel,
        mesh=mesh,
        out_type=jax.ShapeDtypeStruct((_B, _EMB), jnp.float32),
        scratch_types=[
            pltpu.VMEM((_NCH, _CH), jnp.int32),
            pltpu.VMEM((_IPW, _EMB), jnp.float32),
            pltpu.VMEM((_BPW, _EMB), jnp.float32),
            pltpu.SemaphoreType.DMA,
        ],
        compiler_params=pltpu.CompilerParams(use_tc_tiling_on_sc=False),
    )
    def sc_kernel(x_hbm, emb_hbm, s_hbm, idx_v, rows_v, acc_v, sem):
        wid = lax.axis_index("s") * _NC + lax.axis_index("c")
        pltpu.sync_copy(x_hbm.at[wid], idx_v)
        copies = [
            pltpu.async_copy(
                emb_hbm.at[idx_v.at[k]],
                rows_v.at[pl.ds(k * _CH, _CH)],
                sem,
            )
            for k in range(_NCH)
        ]
        for cp in copies:
            cp.wait()

        def body(b, carry):
            for d in range(_EMB // 16):
                acc = jnp.zeros((16,), jnp.float32)
                for c in range(_CTX):
                    acc = acc + rows_v[b * _CTX + c, pl.ds(d * 16, 16)]
                acc_v[b, pl.ds(d * 16, 16)] = acc
            return carry

        lax.fori_loop(0, _BPW, body, 0)
        pltpu.sync_copy(acc_v, s_hbm.at[pl.ds(wid * _BPW, _BPW)])

    return sc_kernel(x3, W_emb)


_VP = 100096


def _fused_body(s_ref, wt_ref, o_ref):
    logits = lax.dot_general(
        s_ref[...], wt_ref[...], (((1,), (0,)), ((), ())),
        preferred_element_type=jnp.float32)
    sig = jnp.sum(jnp.exp(logits[:, :_VOCAB]), axis=1, keepdims=True)
    o_ref[...] = logits - jnp.log(sig)


def _log_softmax_tc(s, W_lin):
    wt = jnp.pad(W_lin.T, ((0, 0), (0, _VP - _VOCAB)))
    out = pl.pallas_call(
        _fused_body,
        grid=(_NM,),
        in_specs=[
            pl.BlockSpec((_BM, _EMB), lambda j: (j, 0)),
            pl.BlockSpec((_EMB, _VP), lambda j: (0, 0)),
        ],
        out_specs=pl.BlockSpec((_BM, _VP), lambda j: (j, 0)),
        out_shape=jax.ShapeDtypeStruct((_B, _VP), jnp.float32),
        compiler_params=pltpu.CompilerParams(
            dimension_semantics=("arbitrary",),
            vmem_limit_bytes=112 * 1024 * 1024,
        ),
    )(s, wt)
    return out[:, :_VOCAB]


def kernel(x, W_emb, W_lin):
    s = _embsum_sc(x, W_emb)
    return _log_softmax_tc(s, W_lin)

# --- scband reference (transcript-rebuilt; emitter-appended) ---
"""Pipeline reference for scband-net-23716809409308 (READ-ONLY COPY).

The authoritative reference and input builder live on the scoring server;
editing this copy changes nothing except your own understanding.
"""

import jax, jax.numpy as jnp
import numpy as np

VOCAB = 100000
EMB = 64
B = 1024
CTX = 20


def setup_inputs(seed: int = 0) -> dict:
    key = jax.random.key(seed)
    k1, k2, k3 = jax.random.split(key, 3)
    x = jax.random.randint(k1, (B, CTX), 0, VOCAB, dtype=jnp.int32)
    W_emb = jax.random.normal(k2, (VOCAB, EMB), dtype=jnp.float32) * 0.02
    W_lin = jax.random.normal(k3, (VOCAB, EMB), dtype=jnp.float32) * 0.02  # torch Linear weight: [out_features, in_features]
    return {"x": x, "W_emb": W_emb, "W_lin": W_lin}


def reference(x, W_emb, W_lin):
    # x: int[B, CTX] context word ids
    e = jnp.take(W_emb, x, axis=0)          # [B, CTX, EMB]  (nn.Embedding)
    s = jnp.sum(e, axis=1)                  # [B, EMB]       (torch.sum over dim=1)
    logits = s @ W_lin.T                    # [B, VOCAB]     (nn.Linear, bias=False)
    return jax.nn.log_softmax(logits, axis=-1)  # LogSoftmax(dim=-1)

if __name__ == "__main__":
    import jax
    _d = setup_inputs()
    print(jax.jit(kernel)(*tuple(_d.values())))

</pallas_src>

<mosaic_0001>
#map = affine_map<(d0, d1) -> (0, 0, 0)>
#map1 = affine_map<(d0, d1) -> (0, 0)>
module attributes {stable_mosaic.version = 14 : i64} {
  func.func @sc_kernel(%arg0: i32, %arg1: i32, %arg2: memref<32x5x128xi32, #tpu.memory_space<hbm>>, %arg3: memref<100000x64xf32, #tpu.memory_space<hbm>>, %arg4: memref<1024x64xf32, #tpu.memory_space<hbm>>, %arg5: memref<5x128xi32, #tpu.memory_space<vmem>>, %arg6: memref<640x64xf32, #tpu.memory_space<vmem>>, %arg7: memref<32x64xf32, #tpu.memory_space<vmem>>, %arg8: memref<!tpu.dma_semaphore, #tpu.memory_space<semaphore_mem>>) attributes {dimension_semantics = [#tpu.dimension_semantics<core_parallel>, #tpu.dimension_semantics<subcore_parallel>], iteration_bounds = array<i64: 2, 16>, scalar_prefetch = 0 : i64, scratch_operands = 4 : i64, tpu.core_type = #tpu.core_type<sc_vector_subcore>, window_params = [{transform_indices = #map}, {transform_indices = #map1}, {transform_indices = #map1}]} {
    %mul3A = arith.constant 2 : i32
    %mul3A_0 = arith.muli %arg1, %mul3A : i32
    %add3A = arith.addi %mul3A_0, %arg0 : i32
    "tpu.region"() ({
      %run_scoped3A = tpu.sem_alloc : memref<!tpu.dma_semaphore, #tpu.memory_space<semaphore_mem>>
      %dma_start3A_106 = arith.constant 0 : i32
      %dma_start3A_107 = arith.constant 0 : i32
      %dma_start3A_108 = tpu.memref_slice %arg2[%add3A, %dma_start3A_106, %dma_start3A_107] : memref<32x5x128xi32, #tpu.memory_space<hbm>> -> memref<1x5x128xi32, #tpu.memory_space<hbm>>
      %dma_start3A_109 = tpu.memref_squeeze %dma_start3A_108 : memref<1x5x128xi32, #tpu.memory_space<hbm>> -> memref<5x128xi32, #tpu.memory_space<hbm>>
      %dma_start3A_110 = arith.constant 0 : i32
      %dma_start3A_111 = arith.constant 0 : i32
      %dma_start3A_112 = tpu.memref_slice %arg2[%add3A, %dma_start3A_110, %dma_start3A_111] : memref<32x5x128xi32, #tpu.memory_space<hbm>> -> memref<1x5x128xi32, #tpu.memory_space<hbm>>
      %dma_start3A_113 = tpu.memref_squeeze %dma_start3A_112 : memref<1x5x128xi32, #tpu.memory_space<hbm>> -> memref<5x128xi32, #tpu.memory_space<hbm>>
      tpu.enqueue_dma source(%dma_start3A_113 : memref<5x128xi32, #tpu.memory_space<hbm>>) target(%arg5 : memref<5x128xi32, #tpu.memory_space<vmem>>) target_semaphore(%run_scoped3A : memref<!tpu.dma_semaphore, #tpu.memory_space<semaphore_mem>>)
      %dma_wait3A_114 = arith.constant 0 : i32
      %dma_wait3A_115 = arith.constant 0 : i32
      %dma_wait3A_116 = tpu.memref_slice %arg2[%add3A, %dma_wait3A_114, %dma_wait3A_115] : memref<32x5x128xi32, #tpu.memory_space<hbm>> -> memref<1x5x128xi32, #tpu.memory_space<hbm>>
      %dma_wait3A_117 = tpu.memref_squeeze %dma_wait3A_116 : memref<1x5x128xi32, #tpu.memory_space<hbm>> -> memref<5x128xi32, #tpu.memory_space<hbm>>
      %dma_wait3A_118 = arith.constant 0 : i32
      %dma_wait3A_119 = arith.constant 0 : i32
      %dma_wait3A_120 = tpu.memref_slice %arg2[%add3A, %dma_wait3A_118, %dma_wait3A_119] : memref<32x5x128xi32, #tpu.memory_space<hbm>> -> memref<1x5x128xi32, #tpu.memory_space<hbm>>
      %dma_wait3A_121 = tpu.memref_squeeze %dma_wait3A_120 : memref<1x5x128xi32, #tpu.memory_space<hbm>> -> memref<5x128xi32, #tpu.memory_space<hbm>>
      tpu.wait_dma2 semaphore(%run_scoped3A : memref<!tpu.dma_semaphore, #tpu.memory_space<semaphore_mem>>) src(%dma_wait3A_121 : memref<5x128xi32, #tpu.memory_space<hbm>>) dst(%arg5 : memref<5x128xi32, #tpu.memory_space<vmem>>)
      tpu.yield
    }) : () -> ()
    %dma_start3A = arith.constant 0 : i32
    %dma_start3A_1 = arith.constant 0 : i32
    %dma_start3A_2 = arith.constant 0 : i32
    %dma_start3A_3 = tpu.memref_slice %arg6[%dma_start3A_1, %dma_start3A_2] : memref<640x64xf32, #tpu.memory_space<vmem>> -> memref<128x64xf32, #tpu.memory_space<vmem>>
    %dma_start3A_4 = arith.constant 0 : i32
    %dma_start3A_5 = tpu.memref_slice %arg5[%dma_start3A, %dma_start3A_4] : memref<5x128xi32, #tpu.memory_space<vmem>> -> memref<1x128xi32, #tpu.memory_space<vmem>>
    %dma_start3A_6 = tpu.memref_squeeze %dma_start3A_5 : memref<1x128xi32, #tpu.memory_space<vmem>> -> memref<128xi32, #tpu.memory_space<vmem>>
    %dma_start3A_7 = arith.constant 0 : i32
    %dma_start3A_8 = arith.constant 0 : i32
    %dma_start3A_9 = tpu.memref_slice %arg3[%dma_start3A_7, %dma_start3A_8] : memref<100000x64xf32, #tpu.memory_space<hbm>> -> memref<100000x64xf32, #tpu.memory_space<hbm>>
    tpu.enqueue_indirect_dma source(%dma_start3A_9 : memref<100000x64xf32, #tpu.memory_space<hbm>>) target(%dma_start3A_3 : memref<128x64xf32, #tpu.memory_space<vmem>>) offsets(%dma_start3A_6 : memref<128xi32, #tpu.memory_space<vmem>>) semaphore(%arg8 : memref<!tpu.dma_semaphore, #tpu.memory_space<semaphore_mem>>)
    %dma_start3A_10 = arith.constant 1 : i32
    %dma_start3A_11 = arith.constant 128 : i32
    %dma_start3A_12 = arith.constant 0 : i32
    %dma_start3A_13 = tpu.memref_slice %arg6[%dma_start3A_11, %dma_start3A_12] : memref<640x64xf32, #tpu.memory_space<vmem>> -> memref<128x64xf32, #tpu.memory_space<vmem>>
    %dma_start3A_14 = arith.constant 0 : i32
    %dma_start3A_15 = tpu.memref_slice %arg5[%dma_start3A_10, %dma_start3A_14] : memref<5x128xi32, #tpu.memory_space<vmem>> -> memref<1x128xi32, #tpu.memory_space<vmem>>
    %dma_start3A_16 = tpu.memref_squeeze %dma_start3A_15 : memref<1x128xi32, #tpu.memory_space<vmem>> -> memref<128xi32, #tpu.memory_space<vmem>>
    %dma_start3A_17 = arith.constant 0 : i32
    %dma_start3A_18 = arith.constant 0 : i32
    %dma_start3A_19 = tpu.memref_slice %arg3[%dma_start3A_17, %dma_start3A_18] : memref<100000x64xf32, #tpu.memory_space<hbm>> -> memref<100000x64xf32, #tpu.memory_space<hbm>>
    tpu.enqueue_indirect_dma source(%dma_start3A_19 : memref<100000x64xf32, #tpu.memory_space<hbm>>) target(%dma_start3A_13 : memref<128x64xf32, #tpu.memory_space<vmem>>) offsets(%dma_start3A_16 : memref<128xi32, #tpu.memory_space<vmem>>) semaphore(%arg8 : memref<!tpu.dma_semaphore, #tpu.memory_space<semaphore_mem>>)
    %dma_start3A_20 = arith.constant 2 : i32
    %dma_start3A_21 = arith.constant 256 : i32
    %dma_start3A_22 = arith.constant 0 : i32
    %dma_start3A_23 = tpu.memref_slice %arg6[%dma_start3A_21, %dma_start3A_22] : memref<640x64xf32, #tpu.memory_space<vmem>> -> memref<128x64xf32, #tpu.memory_space<vmem>>
    %dma_start3A_24 = arith.constant 0 : i32
    %dma_start3A_25 = tpu.memref_slice %arg5[%dma_start3A_20, %dma_start3A_24] : memref<5x128xi32, #tpu.memory_space<vmem>> -> memref<1x128xi32, #tpu.memory_space<vmem>>
    %dma_start3A_26 = tpu.memref_squeeze %dma_start3A_25 : memref<1x128xi32, #tpu.memory_space<vmem>> -> memref<128xi32, #tpu.memory_space<vmem>>
    %dma_start3A_27 = arith.constant 0 : i32
    %dma_start3A_28 = arith.constant 0 : i32
    %dma_start3A_29 = tpu.memref_slice %arg3[%dma_start3A_27, %dma_start3A_28] : memref<100000x64xf32, #tpu.memory_space<hbm>> -> memref<100000x64xf32, #tpu.memory_space<hbm>>
    tpu.enqueue_indirect_dma source(%dma_start3A_29 : memref<100000x64xf32, #tpu.memory_space<hbm>>) target(%dma_start3A_23 : memref<128x64xf32, #tpu.memory_space<vmem>>) offsets(%dma_start3A_26 : memref<128xi32, #tpu.memory_space<vmem>>) semaphore(%arg8 : memref<!tpu.dma_semaphore, #tpu.memory_space<semaphore_mem>>)
    %dma_start3A_30 = arith.constant 3 : i32
    %dma_start3A_31 = arith.constant 384 : i32
    %dma_start3A_32 = arith.constant 0 : i32
    %dma_start3A_33 = tpu.memref_slice %arg6[%dma_start3A_31, %dma_start3A_32] : memref<640x64xf32, #tpu.memory_space<vmem>> -> memref<128x64xf32, #tpu.memory_space<vmem>>
    %dma_start3A_34 = arith.constant 0 : i32
    %dma_start3A_35 = tpu.memref_slice %arg5[%dma_start3A_30, %dma_start3A_34] : memref<5x128xi32, #tpu.memory_space<vmem>> -> memref<1x128xi32, #tpu.memory_space<vmem>>
    %dma_start3A_36 = tpu.memref_squeeze %dma_start3A_35 : memref<1x128xi32, #tpu.memory_space<vmem>> -> memref<128xi32, #tpu.memory_space<vmem>>
    %dma_start3A_37 = arith.constant 0 : i32
    %dma_start3A_38 = arith.constant 0 : i32
    %dma_start3A_39 = tpu.memref_slice %arg3[%dma_start3A_37, %dma_start3A_38] : memref<100000x64xf32, #tpu.memory_space<hbm>> -> memref<100000x64xf32, #tpu.memory_space<hbm>>
    tpu.enqueue_indirect_dma source(%dma_start3A_39 : memref<100000x64xf32, #tpu.memory_space<hbm>>) target(%dma_start3A_33 : memref<128x64xf32, #tpu.memory_space<vmem>>) offsets(%dma_start3A_36 : memref<128xi32, #tpu.memory_space<vmem>>) semaphore(%arg8 : memref<!tpu.dma_semaphore, #tpu.memory_space<semaphore_mem>>)
    %dma_start3A_40 = arith.constant 4 : i32
    %dma_start3A_41 = arith.constant 512 : i32
    %dma_start3A_42 = arith.constant 0 : i32
    %dma_start3A_43 = tpu.memref_slice %arg6[%dma_start3A_41, %dma_start3A_42] : memref<640x64xf32, #tpu.memory_space<vmem>> -> memref<128x64xf32, #tpu.memory_space<vmem>>
    %dma_start3A_44 = arith.constant 0 : i32
    %dma_start3A_45 = tpu.memref_slice %arg5[%dma_start3A_40, %dma_start3A_44] : memref<5x128xi32, #tpu.memory_space<vmem>> -> memref<1x128xi32, #tpu.memory_space<vmem>>
    %dma_start3A_46 = tpu.memref_squeeze %dma_start3A_45 : memref<1x128xi32, #tpu.memory_space<vmem>> -> memref<128xi32, #tpu.memory_space<vmem>>
    %dma_start3A_47 = arith.constant 0 : i32
    %dma_start3A_48 = arith.constant 0 : i32
    %dma_start3A_49 = tpu.memref_slice %arg3[%dma_start3A_47, %dma_start3A_48] : memref<100000x64xf32, #tpu.memory_space<hbm>> -> memref<100000x64xf32, #tpu.memory_space<hbm>>
    tpu.enqueue_indirect_dma source(%dma_start3A_49 : memref<100000x64xf32, #tpu.memory_space<hbm>>) target(%dma_start3A_43 : memref<128x64xf32, #tpu.memory_space<vmem>>) offsets(%dma_start3A_46 : memref<128xi32, #tpu.memory_space<vmem>>) semaphore(%arg8 : memref<!tpu.dma_semaphore, #tpu.memory_space<semaphore_mem>>)
    %dma_wait3A = arith.constant 0 : i32
    %dma_wait3A_50 = arith.constant 0 : i32
    %dma_wait3A_51 = arith.constant 0 : i32
    %dma_wait3A_52 = tpu.memref_slice %arg6[%dma_wait3A_50, %dma_wait3A_51] : memref<640x64xf32, #tpu.memory_space<vmem>> -> memref<128x64xf32, #tpu.memory_space<vmem>>
    %dma_wait3A_53 = arith.constant 0 : i32
    %dma_wait3A_54 = tpu.memref_slice %arg5[%dma_wait3A, %dma_wait3A_53] : memref<5x128xi32, #tpu.memory_space<vmem>> -> memref<1x128xi32, #tpu.memory_space<vmem>>
    %dma_wait3A_55 = tpu.memref_squeeze %dma_wait3A_54 : memref<1x128xi32, #tpu.memory_space<vmem>> -> memref<128xi32, #tpu.memory_space<vmem>>
    %dma_wait3A_56 = arith.constant 0 : i32
    %dma_wait3A_57 = arith.constant 0 : i32
    %dma_wait3A_58 = tpu.memref_slice %arg3[%dma_wait3A_56, %dma_wait3A_57] : memref<100000x64xf32, #tpu.memory_space<hbm>> -> memref<100000x64xf32, #tpu.memory_space<hbm>>
    tpu.wait_indirect_dma semaphore(%arg8 : memref<!tpu.dma_semaphore, #tpu.memory_space<semaphore_mem>>) src(%dma_wait3A_58 : memref<100000x64xf32, #tpu.memory_space<hbm>>) dst(%dma_wait3A_52 : memref<128x64xf32, #tpu.memory_space<vmem>>)
    %dma_wait3A_59 = arith.constant 1 : i32
    %dma_wait3A_60 = arith.constant 128 : i32
    %dma_wait3A_61 = arith.constant 0 : i32
    %dma_wait3A_62 = tpu.memref_slice %arg6[%dma_wait3A_60, %dma_wait3A_61] : memref<640x64xf32, #tpu.memory_space<vmem>> -> memref<128x64xf32, #tpu.memory_space<vmem>>
    %dma_wait3A_63 = arith.constant 0 : i32
    %dma_wait3A_64 = tpu.memref_slice %arg5[%dma_wait3A_59, %dma_wait3A_63] : memref<5x128xi32, #tpu.memory_space<vmem>> -> memref<1x128xi32, #tpu.memory_space<vmem>>
    %dma_wait3A_65 = tpu.memref_squeeze %dma_wait3A_64 : memref<1x128xi32, #tpu.memory_space<vmem>> -> memref<128xi32, #tpu.memory_space<vmem>>
    %dma_wait3A_66 = arith.constant 0 : i32
    %dma_wait3A_67 = arith.constant 0 : i32
    %dma_wait3A_68 = tpu.memref_slice %arg3[%dma_wait3A_66, %dma_wait3A_67] : memref<100000x64xf32, #tpu.memory_space<hbm>> -> memref<100000x64xf32, #tpu.memory_space<hbm>>
    tpu.wait_indirect_dma semaphore(%arg8 : memref<!tpu.dma_semaphore, #tpu.memory_space<semaphore_mem>>) src(%dma_wait3A_68 : memref<100000x64xf32, #tpu.memory_space<hbm>>) dst(%dma_wait3A_62 : memref<128x64xf32, #tpu.memory_space<vmem>>)
    %dma_wait3A_69 = arith.constant 2 : i32
    %dma_wait3A_70 = arith.constant 256 : i32
    %dma_wait3A_71 = arith.constant 0 : i32
    %dma_wait3A_72 = tpu.memref_slice %arg6[%dma_wait3A_70, %dma_wait3A_71] : memref<640x64xf32, #tpu.memory_space<vmem>> -> memref<128x64xf32, #tpu.memory_space<vmem>>
    %dma_wait3A_73 = arith.constant 0 : i32
    %dma_wait3A_74 = tpu.memref_slice %arg5[%dma_wait3A_69, %dma_wait3A_73] : memref<5x128xi32, #tpu.memory_space<vmem>> -> memref<1x128xi32, #tpu.memory_space<vmem>>
    %dma_wait3A_75 = tpu.memref_squeeze %dma_wait3A_74 : memref<1x128xi32, #tpu.memory_space<vmem>> -> memref<128xi32, #tpu.memory_space<vmem>>
    %dma_wait3A_76 = arith.constant 0 : i32
    %dma_wait3A_77 = arith.constant 0 : i32
    %dma_wait3A_78 = tpu.memref_slice %arg3[%dma_wait3A_76, %dma_wait3A_77] : memref<100000x64xf32, #tpu.memory_space<hbm>> -> memref<100000x64xf32, #tpu.memory_space<hbm>>
    tpu.wait_indirect_dma semaphore(%arg8 : memref<!tpu.dma_semaphore, #tpu.memory_space<semaphore_mem>>) src(%dma_wait3A_78 : memref<100000x64xf32, #tpu.memory_space<hbm>>) dst(%dma_wait3A_72 : memref<128x64xf32, #tpu.memory_space<vmem>>)
    %dma_wait3A_79 = arith.constant 3 : i32
    %dma_wait3A_80 = arith.constant 384 : i32
    %dma_wait3A_81 = arith.constant 0 : i32
    %dma_wait3A_82 = tpu.memref_slice %arg6[%dma_wait3A_80, %dma_wait3A_81] : memref<640x64xf32, #tpu.memory_space<vmem>> -> memref<128x64xf32, #tpu.memory_space<vmem>>
    %dma_wait3A_83 = arith.constant 0 : i32
    %dma_wait3A_84 = tpu.memref_slice %arg5[%dma_wait3A_79, %dma_wait3A_83] : memref<5x128xi32, #tpu.memory_space<vmem>> -> memref<1x128xi32, #tpu.memory_space<vmem>>
    %dma_wait3A_85 = tpu.memref_squeeze %dma_wait3A_84 : memref<1x128xi32, #tpu.memory_space<vmem>> -> memref<128xi32, #tpu.memory_space<vmem>>
    %dma_wait3A_86 = arith.constant 0 : i32
    %dma_wait3A_87 = arith.constant 0 : i32
    %dma_wait3A_88 = tpu.memref_slice %arg3[%dma_wait3A_86, %dma_wait3A_87] : memref<100000x64xf32, #tpu.memory_space<hbm>> -> memref<100000x64xf32, #tpu.memory_space<hbm>>
    tpu.wait_indirect_dma semaphore(%arg8 : memref<!tpu.dma_semaphore, #tpu.memory_space<semaphore_mem>>) src(%dma_wait3A_88 : memref<100000x64xf32, #tpu.memory_space<hbm>>) dst(%dma_wait3A_82 : memref<128x64xf32, #tpu.memory_space<vmem>>)
    %dma_wait3A_89 = arith.constant 4 : i32
    %dma_wait3A_90 = arith.constant 512 : i32
    %dma_wait3A_91 = arith.constant 0 : i32
    %dma_wait3A_92 = tpu.memref_slice %arg6[%dma_wait3A_90, %dma_wait3A_91] : memref<640x64xf32, #tpu.memory_space<vmem>> -> memref<128x64xf32, #tpu.memory_space<vmem>>
    %dma_wait3A_93 = arith.constant 0 : i32
    %dma_wait3A_94 = tpu.memref_slice %arg5[%dma_wait3A_89, %dma_wait3A_93] : memref<5x128xi32, #tpu.memory_space<vmem>> -> memref<1x128xi32, #tpu.memory_space<vmem>>
    %dma_wait3A_95 = tpu.memref_squeeze %dma_wait3A_94 : memref<1x128xi32, #tpu.memory_space<vmem>> -> memref<128xi32, #tpu.memory_space<vmem>>
    %dma_wait3A_96 = arith.constant 0 : i32
    %dma_wait3A_97 = arith.constant 0 : i32
    %dma_wait3A_98 = tpu.memref_slice %arg3[%dma_wait3A_96, %dma_wait3A_97] : memref<100000x64xf32, #tpu.memory_space<hbm>> -> memref<100000x64xf32, #tpu.memory_space<hbm>>
    tpu.wait_indirect_dma semaphore(%arg8 : memref<!tpu.dma_semaphore, #tpu.memory_space<semaphore_mem>>) src(%dma_wait3A_98 : memref<100000x64xf32, #tpu.memory_space<hbm>>) dst(%dma_wait3A_92 : memref<128x64xf32, #tpu.memory_space<vmem>>)
    %scan3A = arith.constant 0 : i32
    %scan3A_99 = arith.constant 0 : i32
    %scan3A_100 = arith.constant 32 : i32
    %scan3A_101 = arith.addi %scan3A_99, %scan3A_100 : i32
    %scan3A_102 = arith.constant 1 : i32
    scf.for %scan3A_106 = %scan3A_99 to %scan3A_101 step %scan3A_102  : i32 {
      %broadcast_in_dim3A = arith.constant 0.000000e+00 : f32
      %broadcast_in_dim3A_107 = vector.broadcast %broadcast_in_dim3A : f32 to vector<16xf32>
      %mul3A_108 = arith.constant 20 : i32
      %mul3A_109 = arith.muli %scan3A_106, %mul3A_108 : i32
      %add3A_110 = arith.constant 0 : i32
      %add3A_111 = arith.addi %mul3A_109, %add3A_110 : i32
      %get3A = arith.index_cast %add3A_111 : i32 to index
      %get3A_112 = arith.constant 0 : index
      %get3A_113 = tpu.vector_load %arg6[%get3A, %get3A_112] {strides = array<i32>} : memref<640x64xf32, #tpu.memory_space<vmem>>, vector<1x16xf32>,
      %get3A_114 = vector.shape_cast %get3A_113 : vector<1x16xf32> to vector<16xf32>
      %add3A_115 = arith.addf %broadcast_in_dim3A_107, %get3A_114 : vector<16xf32>
      %mul3A_116 = arith.constant 20 : i32
      %mul3A_117 = arith.muli %scan3A_106, %mul3A_116 : i32
      %add3A_118 = arith.constant 1 : i32
      %add3A_119 = arith.addi %mul3A_117, %add3A_118 : i32
      %get3A_120 = arith.index_cast %add3A_119 : i32 to index
      %get3A_121 = arith.constant 0 : index
      %get3A_122 = tpu.vector_load %arg6[%get3A_120, %get3A_121] {strides = array<i32>} : memref<640x64xf32, #tpu.memory_space<vmem>>, vector<1x16xf32>,
      %get3A_123 = vector.shape_cast %get3A_122 : vector<1x16xf32> to vector<16xf32>
      %add3A_124 = arith.addf %add3A_115, %get3A_123 : vector<16xf32>
      %mul3A_125 = arith.constant 20 : i32
      %mul3A_126 = arith.muli %scan3A_106, %mul3A_125 : i32
      %add3A_127 = arith.constant 2 : i32
      %add3A_128 = arith.addi %mul3A_126, %add3A_127 : i32
      %get3A_129 = arith.index_cast %add3A_128 : i32 to index
      %get3A_130 = arith.constant 0 : index
      %get3A_131 = tpu.vector_load %arg6[%get3A_129, %get3A_130] {strides = array<i32>} : memref<640x64xf32, #tpu.memory_space<vmem>>, vector<1x16xf32>,
      %get3A_132 = vector.shape_cast %get3A_131 : vector<1x16xf32> to vector<16xf32>
      %add3A_133 = arith.addf %add3A_124, %get3A_132 : vector<16xf32>
      %mul3A_134 = arith.constant 20 : i32
      %mul3A_135 = arith.muli %scan3A_106, %mul3A_134 : i32
      %add3A_136 = arith.constant 3 : i32
      %add3A_137 = arith.addi %mul3A_135, %add3A_136 : i32
      %get3A_138 = arith.index_cast %add3A_137 : i32 to index
      %get3A_139 = arith.constant 0 : index
      %get3A_140 = tpu.vector_load %arg6[%get3A_138, %get3A_139] {strides = array<i32>} : memref<640x64xf32, #tpu.memory_space<vmem>>, vector<1x16xf32>,
      %get3A_141 = vector.shape_cast %get3A_140 : vector<1x16xf32> to vector<16xf32>
      %add3A_142 = arith.addf %add3A_133, %get3A_141 : vector<16xf32>
      %mul3A_143 = arith.constant 20 : i32
      %mul3A_144 = arith.muli %scan3A_106, %mul3A_143 : i32
      %add3A_145 = arith.constant 4 : i32
      %add3A_146 = arith.addi %mul3A_144, %add3A_145 : i32
      %get3A_147 = arith.index_cast %add3A_146 : i32 to index
      %get3A_148 = arith.constant 0 : index
      %get3A_149 = tpu.vector_load %arg6[%get3A_147, %get3A_148] {strides = array<i32>} : memref<640x64xf32, #tpu.memory_space<vmem>>, vector<1x16xf32>,
      %get3A_150 = vector.shape_cast %get3A_149 : vector<1x16xf32> to vector<16xf32>
      %add3A_151 = arith.addf %add3A_142, %get3A_150 : vector<16xf32>
      %mul3A_152 = arith.constant 20 : i32
      %mul3A_153 = arith.muli %scan3A_106, %mul3A_152 : i32
      %add3A_154 = arith.constant 5 : i32
      %add3A_155 = arith.addi %mul3A_153, %add3A_154 : i32
      %get3A_156 = arith.index_cast %add3A_155 : i32 to index
      %get3A_157 = arith.constant 0 : index
      %get3A_158 = tpu.vector_load %arg6[%get3A_156, %get3A_157] {strides = array<i32>} : memref<640x64xf32, #tpu.memory_space<vmem>>, vector<1x16xf32>,
      %get3A_159 = vector.shape_cast %get3A_158 : vector<1x16xf32> to vector<16xf32>
      %add3A_160 = arith.addf %add3A_151, %get3A_159 : vector<16xf32>
      %mul3A_161 = arith.constant 20 : i32
      %mul3A_162 = arith.muli %scan3A_106, %mul3A_161 : i32
      %add3A_163 = arith.constant 6 : i32
      %add3A_164 = arith.addi %mul3A_162, %add3A_163 : i32
      %get3A_165 = arith.index_cast %add3A_164 : i32 to index
      %get3A_166 = arith.constant 0 : index
      %get3A_167 = tpu.vector_load %arg6[%get3A_165, %get3A_166] {strides = array<i32>} : memref<640x64xf32, #tpu.memory_space<vmem>>, vector<1x16xf32>,
      %get3A_168 = vector.shape_cast %get3A_167 : vector<1x16xf32> to vector<16xf32>
      %add3A_169 = arith.addf %add3A_160, %get3A_168 : vector<16xf32>
      %mul3A_170 = arith.constant 20 : i32
      %mul3A_171 = arith.muli %scan3A_106, %mul3A_170 : i32
      %add3A_172 = arith.constant 7 : i32
      %add3A_173 = arith.addi %mul3A_171, %add3A_172 : i32
      %get3A_174 = arith.index_cast %add3A_173 : i32 to index
      %get3A_175 = arith.constant 0 : index
      %get3A_176 = tpu.vector_load %arg6[%get3A_174, %get3A_175] {strides = array<i32>} : memref<640x64xf32, #tpu.memory_space<vmem>>, vector<1x16xf32>,
      %get3A_177 = vector.shape_cast %get3A_176 : vector<1x16xf32> to vector<16xf32>
      %add3A_178 = arith.addf %add3A_169, %get3A_177 : vector<16xf32>
      %mul3A_179 = arith.constant 20 : i32
      %mul3A_180 = arith.muli %scan3A_106, %mul3A_179 : i32
      %add3A_181 = arith.constant 8 : i32
      %add3A_182 = arith.addi %mul3A_180, %add3A_181 : i32
      %get3A_183 = arith.index_cast %add3A_182 : i32 to index
      %get3A_184 = arith.constant 0 : index
      %get3A_185 = tpu.vector_load %arg6[%get3A_183, %get3A_184] {strides = array<i32>} : memref<640x64xf32, #tpu.memory_space<vmem>>, vector<1x16xf32>,
      %get3A_186 = vector.shape_cast %get3A_185 : vector<1x16xf32> to vector<16xf32>
      %add3A_187 = arith.addf %add3A_178, %get3A_186 : vector<16xf32>
      %mul3A_188 = arith.constant 20 : i32
      %mul3A_189 = arith.muli %scan3A_106, %mul3A_188 : i32
      %add3A_190 = arith.constant 9 : i32
      %add3A_191 = arith.addi %mul3A_189, %add3A_190 : i32
      %get3A_192 = arith.index_cast %add3A_191 : i32 to index
      %get3A_193 = arith.constant 0 : index
      %get3A_194 = tpu.vector_load %arg6[%get3A_192, %get3A_193] {strides = array<i32>} : memref<640x64xf32, #tpu.memory_space<vmem>>, vector<1x16xf32>,
      %get3A_195 = vector.shape_cast %get3A_194 : vector<1x16xf32> to vector<16xf32>
      %add3A_196 = arith.addf %add3A_187, %get3A_195 : vector<16xf32>
      %mul3A_197 = arith.constant 20 : i32
      %mul3A_198 = arith.muli %scan3A_106, %mul3A_197 : i32
      %add3A_199 = arith.constant 10 : i32
      %add3A_200 = arith.addi %mul3A_198, %add3A_199 : i32
      %get3A_201 = arith.index_cast %add3A_200 : i32 to index
      %get3A_202 = arith.constant 0 : index
      %get3A_203 = tpu.vector_load %arg6[%get3A_201, %get3A_202] {strides = array<i32>} : memref<640x64xf32, #tpu.memory_space<vmem>>, vector<1x16xf32>,
      %get3A_204 = vector.shape_cast %get3A_203 : vector<1x16xf32> to vector<16xf32>
      %add3A_205 = arith.addf %add3A_196, %get3A_204 : vector<16xf32>
      %mul3A_206 = arith.constant 20 : i32
      %mul3A_207 = arith.muli %scan3A_106, %mul3A_206 : i32
      %add3A_208 = arith.constant 11 : i32
      %add3A_209 = arith.addi %mul3A_207, %add3A_208 : i32
      %get3A_210 = arith.index_cast %add3A_209 : i32 to index
      %get3A_211 = arith.constant 0 : index
      %get3A_212 = tpu.vector_load %arg6[%get3A_210, %get3A_211] {strides = array<i32>} : memref<640x64xf32, #tpu.memory_space<vmem>>, vector<1x16xf32>,
      %get3A_213 = vector.shape_cast %get3A_212 : vector<1x16xf32> to vector<16xf32>
      %add3A_214 = arith.addf %add3A_205, %get3A_213 : vector<16xf32>
      %mul3A_215 = arith.constant 20 : i32
      %mul3A_216 = arith.muli %scan3A_106, %mul3A_215 : i32
      %add3A_217 = arith.constant 12 : i32
      %add3A_218 = arith.addi %mul3A_216, %add3A_217 : i32
      %get3A_219 = arith.index_cast %add3A_218 : i32 to index
      %get3A_220 = arith.constant 0 : index
      %get3A_221 = tpu.vector_load %arg6[%get3A_219, %get3A_220] {strides = array<i32>} : memref<640x64xf32, #tpu.memory_space<vmem>>, vector<1x16xf32>,
      %get3A_222 = vector.shape_cast %get3A_221 : vector<1x16xf32> to vector<16xf32>
      %add3A_223 = arith.addf %add3A_214, %get3A_222 : vector<16xf32>
      %mul3A_224 = arith.constant 20 : i32
      %mul3A_225 = arith.muli %scan3A_106, %mul3A_224 : i32
      %add3A_226 = arith.constant 13 : i32
      %add3A_227 = arith.addi %mul3A_225, %add3A_226 : i32
      %get3A_228 = arith.index_cast %add3A_227 : i32 to index
      %get3A_229 = arith.constant 0 : index
      %get3A_230 = tpu.vector_load %arg6[%get3A_228, %get3A_229] {strides = array<i32>} : memref<640x64xf32, #tpu.memory_space<vmem>>, vector<1x16xf32>,
      %get3A_231 = vector.shape_cast %get3A_230 : vector<1x16xf32> to vector<16xf32>
      %add3A_232 = arith.addf %add3A_223, %get3A_231 : vector<16xf32>
      %mul3A_233 = arith.constant 20 : i32
      %mul3A_234 = arith.muli %scan3A_106, %mul3A_233 : i32
      %add3A_235 = arith.constant 14 : i32
      %add3A_236 = arith.addi %mul3A_234, %add3A_235 : i32
      %get3A_237 = arith.index_cast %add3A_236 : i32 to index
      %get3A_238 = arith.constant 0 : index
      %get3A_239 = tpu.vector_load %arg6[%get3A_237, %get3A_238] {strides = array<i32>} : memref<640x64xf32, #tpu.memory_space<vmem>>, vector<1x16xf32>,
      %get3A_240 = vector.shape_cast %get3A_239 : vector<1x16xf32> to vector<16xf32>
      %add3A_241 = arith.addf %add3A_232, %get3A_240 : vector<16xf32>
      %mul3A_242 = arith.constant 20 : i32
      %mul3A_243 = arith.muli %scan3A_106, %mul3A_242 : i32
      %add3A_244 = arith.constant 15 : i32
      %add3A_245 = arith.addi %mul3A_243, %add3A_244 : i32
      %get3A_246 = arith.index_cast %add3A_245 : i32 to index
      %get3A_247 = arith.constant 0 : index
      %get3A_248 = tpu.vector_load %arg6[%get3A_246, %get3A_247] {strides = array<i32>} : memref<640x64xf32, #tpu.memory_space<vmem>>, vector<1x16xf32>,
      %get3A_249 = vector.shape_cast %get3A_248 : vector<1x16xf32> to vector<16xf32>
      %add3A_250 = arith.addf %add3A_241, %get3A_249 : vector<16xf32>
      %mul3A_251 = arith.constant 20 : i32
      %mul3A_252 = arith.muli %scan3A_106, %mul3A_251 : i32
      %add3A_253 = arith.constant 16 : i32
      %add3A_254 = arith.addi %mul3A_252, %add3A_253 : i32
      %get3A_255 = arith.index_cast %add3A_254 : i32 to index
      %get3A_256 = arith.constant 0 : index
      %get3A_257 = tpu.vector_load %arg6[%get3A_255, %get3A_256] {strides = array<i32>} : memref<640x64xf32, #tpu.memory_space<vmem>>, vector<1x16xf32>,
      %get3A_258 = vector.shape_cast %get3A_257 : vector<1x16xf32> to vector<16xf32>
      %add3A_259 = arith.addf %add3A_250, %get3A_258 : vector<16xf32>
      %mul3A_260 = arith.constant 20 : i32
      %mul3A_261 = arith.muli %scan3A_106, %mul3A_260 : i32
      %add3A_262 = arith.constant 17 : i32
      %add3A_263 = arith.addi %mul3A_261, %add3A_262 : i32
      %get3A_264 = arith.index_cast %add3A_263 : i32 to index
      %get3A_265 = arith.constant 0 : index
      %get3A_266 = tpu.vector_load %arg6[%get3A_264, %get3A_265] {strides = array<i32>} : memref<640x64xf32, #tpu.memory_space<vmem>>, vector<1x16xf32>,
      %get3A_267 = vector.shape_cast %get3A_266 : vector<1x16xf32> to vector<16xf32>
      %add3A_268 = arith.addf %add3A_259, %get3A_267 : vector<16xf32>
      %mul3A_269 = arith.constant 20 : i32
      %mul3A_270 = arith.muli %scan3A_106, %mul3A_269 : i32
      %add3A_271 = arith.constant 18 : i32
      %add3A_272 = arith.addi %mul3A_270, %add3A_271 : i32
      %get3A_273 = arith.index_cast %add3A_272 : i32 to index
      %get3A_274 = arith.constant 0 : index
      %get3A_275 = tpu.vector_load %arg6[%get3A_273, %get3A_274] {strides = array<i32>} : memref<640x64xf32, #tpu.memory_space<vmem>>, vector<1x16xf32>,
      %get3A_276 = vector.shape_cast %get3A_275 : vector<1x16xf32> to vector<16xf32>
      %add3A_277 = arith.addf %add3A_268, %get3A_276 : vector<16xf32>
      %mul3A_278 = arith.constant 20 : i32
      %mul3A_279 = arith.muli %scan3A_106, %mul3A_278 : i32
      %add3A_280 = arith.constant 19 : i32
      %add3A_281 = arith.addi %mul3A_279, %add3A_280 : i32
      %get3A_282 = arith.index_cast %add3A_281 : i32 to index
      %get3A_283 = arith.constant 0 : index
      %get3A_284 = tpu.vector_load %arg6[%get3A_282, %get3A_283] {strides = array<i32>} : memref<640x64xf32, #tpu.memory_space<vmem>>, vector<1x16xf32>,
      %get3A_285 = vector.shape_cast %get3A_284 : vector<1x16xf32> to vector<16xf32>
      %add3A_286 = arith.addf %add3A_277, %get3A_285 : vector<16xf32>
      %swap3A = arith.index_cast %scan3A_106 : i32 to index
      %swap3A_287 = arith.constant 0 : index
      %swap3A_288 = tpu.vector_load %arg7[%swap3A, %swap3A_287] {strides = array<i32>} : memref<32x64xf32, #tpu.memory_space<vmem>>, vector<1x16xf32>,
      %swap3A_289 = vector.shape_cast %swap3A_288 : vector<1x16xf32> to vector<16xf32>
      %swap3A_290 = vector.shape_cast %add3A_286 : vector<16xf32> to vector<1x16xf32>
      tpu.vector_store %arg7[%swap3A, %swap3A_287], %swap3A_290 {strides = array<i32>} : memref<32x64xf32, #tpu.memory_space<vmem>>, vector<1x16xf32>,
      %broadcast_in_dim3A_291 = arith.constant 0.000000e+00 : f32
      %broadcast_in_dim3A_292 = vector.broadcast %broadcast_in_dim3A_291 : f32 to vector<16xf32>
      %mul3A_293 = arith.constant 20 : i32
      %mul3A_294 = arith.muli %scan3A_106, %mul3A_293 : i32
      %add3A_295 = arith.constant 0 : i32
      %add3A_296 = arith.addi %mul3A_294, %add3A_295 : i32
      %get3A_297 = arith.index_cast %add3A_296 : i32 to index
      %get3A_298 = arith.constant 16 : index
      %get3A_299 = tpu.vector_load %arg6[%get3A_297, %get3A_298] {strides = array<i32>} : memref<640x64xf32, #tpu.memory_space<vmem>>, vector<1x16xf32>,
      %get3A_300 = vector.shape_cast %get3A_299 : vector<1x16xf32> to vector<16xf32>
      %add3A_301 = arith.addf %broadcast_in_dim3A_292, %get3A_300 : vector<16xf32>
      %mul3A_302 = arith.constant 20 : i32
      %mul3A_303 = arith.muli %scan3A_106, %mul3A_302 : i32
      %add3A_304 = arith.constant 1 : i32
      %add3A_305 = arith.addi %mul3A_303, %add3A_304 : i32
      %get3A_306 = arith.index_cast %add3A_305 : i32 to index
      %get3A_307 = arith.constant 16 : index
      %get3A_308 = tpu.vector_load %arg6[%get3A_306, %get3A_307] {strides = array<i32>} : memref<640x64xf32, #tpu.memory_space<vmem>>, vector<1x16xf32>,
      %get3A_309 = vector.shape_cast %get3A_308 : vector<1x16xf32> to vector<16xf32>
      %add3A_310 = arith.addf %add3A_301, %get3A_309 : vector<16xf32>
      %mul3A_311 = arith.constant 20 : i32
      %mul3A_312 = arith.muli %scan3A_106, %mul3A_311 : i32
      %add3A_313 = arith.constant 2 : i32
      %add3A_314 = arith.addi %mul3A_312, %add3A_313 : i32
      %get3A_315 = arith.index_cast %add3A_314 : i32 to index
      %get3A_316 = arith.constant 16 : index
      %get3A_317 = tpu.vector_load %arg6[%get3A_315, %get3A_316] {strides = array<i32>} : memref<640x64xf32, #tpu.memory_space<vmem>>, vector<1x16xf32>,
      %get3A_318 = vector.shape_cast %get3A_317 : vector<1x16xf32> to vector<16xf32>
      %add3A_319 = arith.addf %add3A_310, %get3A_318 : vector<16xf32>
      %mul3A_320 = arith.constant 20 : i32
      %mul3A_321 = arith.muli %scan3A_106, %mul3A_320 : i32
      %add3A_322 = arith.constant 3 : i32
      %add3A_323 = arith.addi %mul3A_321, %add3A_322 : i32
      %get3A_324 = arith.index_cast %add3A_323 : i32 to index
      %get3A_325 = arith.constant 16 : index
      %get3A_326 = tpu.vector_load %arg6[%get3A_324, %get3A_325] {strides = array<i32>} : memref<640x64xf32, #tpu.memory_space<vmem>>, vector<1x16xf32>,
      %get3A_327 = vector.shape_cast %get3A_326 : vector<1x16xf32> to vector<16xf32>
      %add3A_328 = arith.addf %add3A_319, %get3A_327 : vector<16xf32>
      %mul3A_329 = arith.constant 20 : i32
      %mul3A_330 = arith.muli %scan3A_106, %mul3A_329 : i32
      %add3A_331 = arith.constant 4 : i32
      %add3A_332 = arith.addi %mul3A_330, %add3A_331 : i32
      %get3A_333 = arith.index_cast %add3A_332 : i32 to index
      %get3A_334 = arith.constant 16 : index
      %get3A_335 = tpu.vector_load %arg6[%get3A_333, %get3A_334] {strides = array<i32>} : memref<640x64xf32, #tpu.memory_space<vmem>>, vector<1x16xf32>,
      %get3A_336 = vector.shape_cast %get3A_335 : vector<1x16xf32> to vector<16xf32>
      %add3A_337 = arith.addf %add3A_328, %get3A_336 : vector<16xf32>
      %mul3A_338 = arith.constant 20 : i32
      %mul3A_339 = arith.muli %scan3A_106, %mul3A_338 : i32
      %add3A_340 = arith.constant 5 : i32
      %add3A_341 = arith.addi %mul3A_339, %add3A_340 : i32
      %get3A_342 = arith.index_cast %add3A_341 : i32 to index
      %get3A_343 = arith.constant 16 : index
      %get3A_344 = tpu.vector_load %arg6[%get3A_342, %get3A_343] {strides = array<i32>} : memref<640x64xf32, #tpu.memory_space<vmem>>, vector<1x16xf32>,
      %get3A_345 = vector.shape_cast %get3A_344 : vector<1x16xf32> to vector<16xf32>
      %add3A_346 = arith.addf %add3A_337, %get3A_345 : vector<16xf32>
      %mul3A_347 = arith.constant 20 : i32
      %mul3A_348 = arith.muli %scan3A_106, %mul3A_347 : i32
      %add3A_349 = arith.constant 6 : i32
      %add3A_350 = arith.addi %mul3A_348, %add3A_349 : i32
      %get3A_351 = arith.index_cast %add3A_350 : i32 to index
      %get3A_352 = arith.constant 16 : index
      %get3A_353 = tpu.vector_load %arg6[%get3A_351, %get3A_352] {strides = array<i32>} : memref<640x64xf32, #tpu.memory_space<vmem>>, vector<1x16xf32>,
      %get3A_354 = vector.shape_cast %get3A_353 : vector<1x16xf32> to vector<16xf32>
      %add3A_355 = arith.addf %add3A_346, %get3A_354 : vector<16xf32>
      %mul3A_356 = arith.constant 20 : i32
      %mul3A_357 = arith.muli %scan3A_106, %mul3A_356 : i32
      %add3A_358 = arith.constant 7 : i32
      %add3A_359 = arith.addi %mul3A_357, %add3A_358 : i32
      %get3A_360 = arith.index_cast %add3A_359 : i32 to index
      %get3A_361 = arith.constant 16 : index
      %get3A_362 = tpu.vector_load %arg6[%get3A_360, %get3A_361] {strides = array<i32>} : memref<640x64xf32, #tpu.memory_space<vmem>>, vector<1x16xf32>,
      %get3A_363 = vector.shape_cast %get3A_362 : vector<1x16xf32> to vector<16xf32>
      %add3A_364 = arith.addf %add3A_355, %get3A_363 : vector<16xf32>
      %mul3A_365 = arith.constant 20 : i32
      %mul3A_366 = arith.muli %scan3A_106, %mul3A_365 : i32
      %add3A_367 = arith.constant 8 : i32
      %add3A_368 = arith.addi %mul3A_366, %add3A_367 : i32
      %get3A_369 = arith.index_cast %add3A_368 : i32 to index
      %get3A_370 = arith.constant 16 : index
      %get3A_371 = tpu.vector_load %arg6[%get3A_369, %get3A_370] {strides = array<i32>} : memref<640x64xf32, #tpu.memory_space<vmem>>, vector<1x16xf32>,
      %get3A_372 = vector.shape_cast %get3A_371 : vector<1x16xf32> to vector<16xf32>
      %add3A_373 = arith.addf %add3A_364, %get3A_372 : vector<16xf32>
      %mul3A_374 = arith.constant 20 : i32
      %mul3A_375 = arith.muli %scan3A_106, %mul3A_374 : i32
      %add3A_376 = arith.constant 9 : i32
      %add3A_377 = arith.addi %mul3A_375, %add3A_376 : i32
      %get3A_378 = arith.index_cast %add3A_377 : i32 to index
      %get3A_379 = arith.constant 16 : index
      %get3A_380 = tpu.vector_load %arg6[%get3A_378, %get3A_379] {strides = array<i32>} : memref<640x64xf32, #tpu.memory_space<vmem>>, vector<1x16xf32>,
      %get3A_381 = vector.shape_cast %get3A_380 : vector<1x16xf32> to vector<16xf32>
      %add3A_382 = arith.addf %add3A_373, %get3A_381 : vector<16xf32>
      %mul3A_383 = arith.constant 20 : i32
      %mul3A_384 = arith.muli %scan3A_106, %mul3A_383 : i32
      %add3A_385 = arith.constant 10 : i32
      %add3A_386 = arith.addi %mul3A_384, %add3A_385 : i32
      %get3A_387 = arith.index_cast %add3A_386 : i32 to index
      %get3A_388 = arith.constant 16 : index
      %get3A_389 = tpu.vector_load %arg6[%get3A_387, %get3A_388] {strides = array<i32>} : memref<640x64xf32, #tpu.memory_space<vmem>>, vector<1x16xf32>,
      %get3A_390 = vector.shape_cast %get3A_389 : vector<1x16xf32> to vector<16xf32>
      %add3A_391 = arith.addf %add3A_382, %get3A_390 : vector<16xf32>
      %mul3A_392 = arith.constant 20 : i32
      %mul3A_393 = arith.muli %scan3A_106, %mul3A_392 : i32
      %add3A_394 = arith.constant 11 : i32
      %add3A_395 = arith.addi %mul3A_393, %add3A_394 : i32
      %get3A_396 = arith.index_cast %add3A_395 : i32 to index
      %get3A_397 = arith.constant 16 : index
      %get3A_398 = tpu.vector_load %arg6[%get3A_396, %get3A_397] {strides = array<i32>} : memref<640x64xf32, #tpu.memory_space<vmem>>, vector<1x16xf32>,
      %get3A_399 = vector.shape_cast %get3A_398 : vector<1x16xf32> to vector<16xf32>
      %add3A_400 = arith.addf %add3A_391, %get3A_399 : vector<16xf32>
      %mul3A_401 = arith.constant 20 : i32
      %mul3A_402 = arith.muli %scan3A_106, %mul3A_401 : i32
      %add3A_403 = arith.constant 12 : i32
      %add3A_404 = arith.addi %mul3A_402, %add3A_403 : i32
      %get3A_405 = arith.index_cast %add3A_404 : i32 to index
      %get3A_406 = arith.constant 16 : index
      %get3A_407 = tpu.vector_load %arg6[%get3A_405, %get3A_406] {strides = array<i32>} : memref<640x64xf32, #tpu.memory_space<vmem>>, vector<1x16xf32>,
      %get3A_408 = vector.shape_cast %get3A_407 : vector<1x16xf32> to vector<16xf32>
      %add3A_409 = arith.addf %add3A_400, %get3A_408 : vector<16xf32>
      %mul3A_410 = arith.constant 20 : i32
      %mul3A_411 = arith.muli %scan3A_106, %mul3A_410 : i32
      %add3A_412 = arith.constant 13 : i32
      %add3A_413 = arith.addi %mul3A_411, %add3A_412 : i32
      %get3A_414 = arith.index_cast %add3A_413 : i32 to index
      %get3A_415 = arith.constant 16 : index
      %get3A_416 = tpu.vector_load %arg6[%get3A_414, %get3A_415] {strides = array<i32>} : memref<640x64xf32, #tpu.memory_space<vmem>>, vector<1x16xf32>,
      %get3A_417 = vector.shape_cast %get3A_416 : vector<1x16xf32> to vector<16xf32>
      %add3A_418 = arith.addf %add3A_409, %get3A_417 : vector<16xf32>
      %mul3A_419 = arith.constant 20 : i32
      %mul3A_420 = arith.muli %scan3A_106, %mul3A_419 : i32
      %add3A_421 = arith.constant 14 : i32
      %add3A_422 = arith.addi %mul3A_420, %add3A_421 : i32
      %get3A_423 = arith.index_cast %add3A_422 : i32 to index
      %get3A_424 = arith.constant 16 : index
      %get3A_425 = tpu.vector_load %arg6[%get3A_423, %get3A_424] {strides = array<i32>} : memref<640x64xf32, #tpu.memory_space<vmem>>, vector<1x16xf32>,
      %get3A_426 = vector.shape_cast %get3A_425 : vector<1x16xf32> to vector<16xf32>
      %add3A_427 = arith.addf %add3A_418, %get3A_426 : vector<16xf32>
      %mul3A_428 = arith.constant 20 : i32
      %mul3A_429 = arith.muli %scan3A_106, %mul3A_428 : i32
      %add3A_430 = arith.constant 15 : i32
      %add3A_431 = arith.addi %mul3A_429, %add3A_430 : i32
      %get3A_432 = arith.index_cast %add3A_431 : i32 to index
      %get3A_433 = arith.constant 16 : index
      %get3A_434 = tpu.vector_load %arg6[%get3A_432, %get3A_433] {strides = array<i32>} : memref<640x64xf32, #tpu.memory_space<vmem>>, vector<1x16xf32>,
      %get3A_435 = vector.shape_cast %get3A_434 : vector<1x16xf32> to vector<16xf32>
      %add3A_436 = arith.addf %add3A_427, %get3A_435 : vector<16xf32>
      %mul3A_437 = arith.constant 20 : i32
      %mul3A_438 = arith.muli %scan3A_106, %mul3A_437 : i32
      %add3A_439 = arith.constant 16 : i32
      %add3A_440 = arith.addi %mul3A_438, %add3A_439 : i32
      %get3A_441 = arith.index_cast %add3A_440 : i32 to index
      %get3A_442 = arith.constant 16 : index
      %get3A_443 = tpu.vector_load %arg6[%get3A_441, %get3A_442] {strides = array<i32>} : memref<640x64xf32, #tpu.memory_space<vmem>>, vector<1x16xf32>,
      %get3A_444 = vector.shape_cast %get3A_443 : vector<1x16xf32> to vector<16xf32>
      %add3A_445 = arith.addf %add3A_436, %get3A_444 : vector<16xf32>
      %mul3A_446 = arith.constant 20 : i32
      %mul3A_447 = arith.muli %scan3A_106, %mul3A_446 : i32
      %add3A_448 = arith.constant 17 : i32
      %add3A_449 = arith.addi %mul3A_447, %add3A_448 : i32
      %get3A_450 = arith.index_cast %add3A_449 : i32 to index
      %get3A_451 = arith.constant 16 : index
      %get3A_452 = tpu.vector_load %arg6[%get3A_450, %get3A_451] {strides = array<i32>} : memref<640x64xf32, #tpu.memory_space<vmem>>, vector<1x16xf32>,
      %get3A_453 = vector.shape_cast %get3A_452 : vector<1x16xf32> to vector<16xf32>
      %add3A_454 = arith.addf %add3A_445, %get3A_453 : vector<16xf32>
      %mul3A_455 = arith.constant 20 : i32
      %mul3A_456 = arith.muli %scan3A_106, %mul3A_455 : i32
      %add3A_457 = arith.constant 18 : i32
      %add3A_458 = arith.addi %mul3A_456, %add3A_457 : i32
      %get3A_459 = arith.index_cast %add3A_458 : i32 to index
      %get3A_460 = arith.constant 16 : index
      %get3A_461 = tpu.vector_load %arg6[%get3A_459, %get3A_460] {strides = array<i32>} : memref<640x64xf32, #tpu.memory_space<vmem>>, vector<1x16xf32>,
      %get3A_462 = vector.shape_cast %get3A_461 : vector<1x16xf32> to vector<16xf32>
      %add3A_463 = arith.addf %add3A_454, %get3A_462 : vector<16xf32>
      %mul3A_464 = arith.constant 20 : i32
      %mul3A_465 = arith.muli %scan3A_106, %mul3A_464 : i32
      %add3A_466 = arith.constant 19 : i32
      %add3A_467 = arith.addi %mul3A_465, %add3A_466 : i32
      %get3A_468 = arith.index_cast %add3A_467 : i32 to index
      %get3A_469 = arith.constant 16 : index
      %get3A_470 = tpu.vector_load %arg6[%get3A_468, %get3A_469] {strides = array<i32>} : memref<640x64xf32, #tpu.memory_space<vmem>>, vector<1x16xf32>,
      %get3A_471 = vector.shape_cast %get3A_470 : vector<1x16xf32> to vector<16xf32>
      %add3A_472 = arith.addf %add3A_463, %get3A_471 : vector<16xf32>
      %swap3A_473 = arith.index_cast %scan3A_106 : i32 to index
      %swap3A_474 = arith.constant 16 : index
      %swap3A_475 = tpu.vector_load %arg7[%swap3A_473, %swap3A_474] {strides = array<i32>} : memref<32x64xf32, #tpu.memory_space<vmem>>, vector<1x16xf32>,
      %swap3A_476 = vector.shape_cast %swap3A_475 : vector<1x16xf32> to vector<16xf32>
      %swap3A_477 = vector.shape_cast %add3A_472 : vector<16xf32> to vector<1x16xf32>
      tpu.vector_store %arg7[%swap3A_473, %swap3A_474], %swap3A_477 {strides = array<i32>} : memref<32x64xf32, #tpu.memory_space<vmem>>, vector<1x16xf32>,
      %broadcast_in_dim3A_478 = arith.constant 0.000000e+00 : f32
      %broadcast_in_dim3A_479 = vector.broadcast %broadcast_in_dim3A_478 : f32 to vector<16xf32>
      %mul3A_480 = arith.constant 20 : i32
      %mul3A_481 = arith.muli %scan3A_106, %mul3A_480 : i32
      %add3A_482 = arith.constant 0 : i32
      %add3A_483 = arith.addi %mul3A_481, %add3A_482 : i32
      %get3A_484 = arith.index_cast %add3A_483 : i32 to index
      %get3A_485 = arith.constant 32 : index
      %get3A_486 = tpu.vector_load %arg6[%get3A_484, %get3A_485] {strides = array<i32>} : memref<640x64xf32, #tpu.memory_space<vmem>>, vector<1x16xf32>,
      %get3A_487 = vector.shape_cast %get3A_486 : vector<1x16xf32> to vector<16xf32>
      %add3A_488 = arith.addf %broadcast_in_dim3A_479, %get3A_487 : vector<16xf32>
      %mul3A_489 = arith.constant 20 : i32
      %mul3A_490 = arith.muli %scan3A_106, %mul3A_489 : i32
      %add3A_491 = arith.constant 1 : i32
      %add3A_492 = arith.addi %mul3A_490, %add3A_491 : i32
      %get3A_493 = arith.index_cast %add3A_492 : i32 to index
      %get3A_494 = arith.constant 32 : index
      %get3A_495 = tpu.vector_load %arg6[%get3A_493, %get3A_494] {strides = array<i32>} : memref<640x64xf32, #tpu.memory_space<vmem>>, vector<1x16xf32>,
      %get3A_496 = vector.shape_cast %get3A_495 : vector<1x16xf32> to vector<16xf32>
      %add3A_497 = arith.addf %add3A_488, %get3A_496 : vector<16xf32>
      %mul3A_498 = arith.constant 20 : i32
      %mul3A_499 = arith.muli %scan3A_106, %mul3A_498 : i32
      %add3A_500 = arith.constant 2 : i32
      %add3A_501 = arith.addi %mul3A_499, %add3A_500 : i32
      %get3A_502 = arith.index_cast %add3A_501 : i32 to index
      %get3A_503 = arith.constant 32 : index
      %get3A_504 = tpu.vector_load %arg6[%get3A_502, %get3A_503] {strides = array<i32>} : memref<640x64xf32, #tpu.memory_space<vmem>>, vector<1x16xf32>,
      %get3A_505 = vector.shape_cast %get3A_504 : vector<1x16xf32> to vector<16xf32>
      %add3A_506 = arith.addf %add3A_497, %get3A_505 : vector<16xf32>
      %mul3A_507 = arith.constant 20 : i32
      %mul3A_508 = arith.muli %scan3A_106, %mul3A_507 : i32
      %add3A_509 = arith.constant 3 : i32
      %add3A_510 = arith.addi %mul3A_508, %add3A_509 : i32
      %get3A_511 = arith.index_cast %add3A_510 : i32 to index
      %get3A_512 = arith.constant 32 : index
      %get3A_513 = tpu.vector_load %arg6[%get3A_511, %get3A_512] {strides = array<i32>} : memref<640x64xf32, #tpu.memory_space<vmem>>, vector<1x16xf32>,
      %get3A_514 = vector.shape_cast %get3A_513 : vector<1x16xf32> to vector<16xf32>
      %add3A_515 = arith.addf %add3A_506, %get3A_514 : vector<16xf32>
      %mul3A_516 = arith.constant 20 : i32
      %mul3A_517 = arith.muli %scan3A_106, %mul3A_516 : i32
      %add3A_518 = arith.constant 4 : i32
      %add3A_519 = arith.addi %mul3A_517, %add3A_518 : i32
      %get3A_520 = arith.index_cast %add3A_519 : i32 to index
      %get3A_521 = arith.constant 32 : index
      %get3A_522 = tpu.vector_load %arg6[%get3A_520, %get3A_521] {strides = array<i32>} : memref<640x64xf32, #tpu.memory_space<vmem>>, vector<1x16xf32>,
      %get3A_523 = vector.shape_cast %get3A_522 : vector<1x16xf32> to vector<16xf32>
      %add3A_524 = arith.addf %add3A_515, %get3A_523 : vector<16xf32>
      %mul3A_525 = arith.constant 20 : i32
      %mul3A_526 = arith.muli %scan3A_106, %mul3A_525 : i32
      %add3A_527 = arith.constant 5 : i32
      %add3A_528 = arith.addi %mul3A_526, %add3A_527 : i32
      %get3A_529 = arith.index_cast %add3A_528 : i32 to index
      %get3A_530 = arith.constant 32 : index
      %get3A_531 = tpu.vector_load %arg6[%get3A_529, %get3A_530] {strides = array<i32>} : memref<640x64xf32, #tpu.memory_space<vmem>>, vector<1x16xf32>,
      %get3A_532 = vector.shape_cast %get3A_531 : vector<1x16xf32> to vector<16xf32>
      %add3A_533 = arith.addf %add3A_524, %get3A_532 : vector<16xf32>
      %mul3A_534 = arith.constant 20 : i32
      %mul3A_535 = arith.muli %scan3A_106, %mul3A_534 : i32
      %add3A_536 = arith.constant 6 : i32
      %add3A_537 = arith.addi %mul3A_535, %add3A_536 : i32
      %get3A_538 = arith.index_cast %add3A_537 : i32 to index
      %get3A_539 = arith.constant 32 : index
      %get3A_540 = tpu.vector_load %arg6[%get3A_538, %get3A_539] {strides = array<i32>} : memref<640x64xf32, #tpu.memory_space<vmem>>, vector<1x16xf32>,
      %get3A_541 = vector.shape_cast %get3A_540 : vector<1x16xf32> to vector<16xf32>
      %add3A_542 = arith.addf %add3A_533, %get3A_541 : vector<16xf32>
      %mul3A_543 = arith.constant 20 : i32
      %mul3A_544 = arith.muli %scan3A_106, %mul3A_543 : i32
      %add3A_545 = arith.constant 7 : i32
      %add3A_546 = arith.addi %mul3A_544, %add3A_545 : i32
      %get3A_547 = arith.index_cast %add3A_546 : i32 to index
      %get3A_548 = arith.constant 32 : index
      %get3A_549 = tpu.vector_load %arg6[%get3A_547, %get3A_548] {strides = array<i32>} : memref<640x64xf32, #tpu.memory_space<vmem>>, vector<1x16xf32>,
      %get3A_550 = vector.shape_cast %get3A_549 : vector<1x16xf32> to vector<16xf32>
      %add3A_551 = arith.addf %add3A_542, %get3A_550 : vector<16xf32>
      %mul3A_552 = arith.constant 20 : i32
      %mul3A_553 = arith.muli %scan3A_106, %mul3A_552 : i32
      %add3A_554 = arith.constant 8 : i32
      %add3A_555 = arith.addi %mul3A_553, %add3A_554 : i32
      %get3A_556 = arith.index_cast %add3A_555 : i32 to index
      %get3A_557 = arith.constant 32 : index
      %get3A_558 = tpu.vector_load %arg6[%get3A_556, %get3A_557] {strides = array<i32>} : memref<640x64xf32, #tpu.memory_space<vmem>>, vector<1x16xf32>,
      %get3A_559 = vector.shape_cast %get3A_558 : vector<1x16xf32> to vector<16xf32>
      %add3A_560 = arith.addf %add3A_551, %get3A_559 : vector<16xf32>
      %mul3A_561 = arith.constant 20 : i32
      %mul3A_562 = arith.muli %scan3A_106, %mul3A_561 : i32
      %add3A_563 = arith.constant 9 : i32
      %add3A_564 = arith.addi %mul3A_562, %add3A_563 : i32
      %get3A_565 = arith.index_cast %add3A_564 : i32 to index
      %get3A_566 = arith.constant 32 : index
      %get3A_567 = tpu.vector_load %arg6[%get3A_565, %get3A_566] {strides = array<i32>} : memref<640x64xf32, #tpu.memory_space<vmem>>, vector<1x16xf32>,
      %get3A_568 = vector.shape_cast %get3A_567 : vector<1x16xf32> to vector<16xf32>
      %add3A_569 = arith.addf %add3A_560, %get3A_568 : vector<16xf32>
      %mul3A_570 = arith.constant 20 : i32
      %mul3A_571 = arith.muli %scan3A_106, %mul3A_570 : i32
      %add3A_572 = arith.constant 10 : i32
      %add3A_573 = arith.addi %mul3A_571, %add3A_572 : i32
      %get3A_574 = arith.index_cast %add3A_573 : i32 to index
      %get3A_575 = arith.constant 32 : index
      %get3A_576 = tpu.vector_load %arg6[%get3A_574, %get3A_575] {strides = array<i32>} : memref<640x64xf32, #tpu.memory_space<vmem>>, vector<1x16xf32>,
      %get3A_577 = vector.shape_cast %get3A_576 : vector<1x16xf32> to vector<16xf32>
      %add3A_578 = arith.addf %add3A_569, %get3A_577 : vector<16xf32>
      %mul3A_579 = arith.constant 20 : i32
      %mul3A_580 = arith.muli %scan3A_106, %mul3A_579 : i32
      %add3A_581 = arith.constant 11 : i32
      %add3A_582 = arith.addi %mul3A_580, %add3A_581 : i32
      %get3A_583 = arith.index_cast %add3A_582 : i32 to index
      %get3A_584 = arith.constant 32 : index
      %get3A_585 = tpu.vector_load %arg6[%get3A_583, %get3A_584] {strides = array<i32>} : memref<640x64xf32, #tpu.memory_space<vmem>>, vector<1x16xf32>,
      %get3A_586 = vector.shape_cast %get3A_585 : vector<1x16xf32> to vector<16xf32>
      %add3A_587 = arith.addf %add3A_578, %get3A_586 : vector<16xf32>
      %mul3A_588 = arith.constant 20 : i32
      %mul3A_589 = arith.muli %scan3A_106, %mul3A_588 : i32
      %add3A_590 = arith.constant 12 : i32
      %add3A_591 = arith.addi %mul3A_589, %add3A_590 : i32
      %get3A_592 = arith.index_cast %add3A_591 : i32 to index
      %get3A_593 = arith.constant 32 : index
      %get3A_594 = tpu.vector_load %arg6[%get3A_592, %get3A_593] {strides = array<i32>} : memref<640x64xf32, #tpu.memory_space<vmem>>, vector<1x16xf32>,
      %get3A_595 = vector.shape_cast %get3A_594 : vector<1x16xf32> to vector<16xf32>
      %add3A_596 = arith.addf %add3A_587, %get3A_595 : vector<16xf32>
      %mul3A_597 = arith.constant 20 : i32
      %mul3A_598 = arith.muli %scan3A_106, %mul3A_597 : i32
      %add3A_599 = arith.constant 13 : i32
      %add3A_600 = arith.addi %mul3A_598, %add3A_599 : i32
      %get3A_601 = arith.index_cast %add3A_600 : i32 to index
      %get3A_602 = arith.constant 32 : index
      %get3A_603 = tpu.vector_load %arg6[%get3A_601, %get3A_602] {strides = array<i32>} : memref<640x64xf32, #tpu.memory_space<vmem>>, vector<1x16xf32>,
      %get3A_604 = vector.shape_cast %get3A_603 : vector<1x16xf32> to vector<16xf32>
      %add3A_605 = arith.addf %add3A_596, %get3A_604 : vector<16xf32>
      %mul3A_606 = arith.constant 20 : i32
      %mul3A_607 = arith.muli %scan3A_106, %mul3A_606 : i32
      %add3A_608 = arith.constant 14 : i32
      %add3A_609 = arith.addi %mul3A_607, %add3A_608 : i32
      %get3A_610 = arith.index_cast %add3A_609 : i32 to index
      %get3A_611 = arith.constant 32 : index
      %get3A_612 = tpu.vector_load %arg6[%get3A_610, %get3A_611] {strides = array<i32>} : memref<640x64xf32, #tpu.memory_space<vmem>>, vector<1x16xf32>,
      %get3A_613 = vector.shape_cast %get3A_612 : vector<1x16xf32> to vector<16xf32>
      %add3A_614 = arith.addf %add3A_605, %get3A_613 : vector<16xf32>
      %mul3A_615 = arith.constant 20 : i32
      %mul3A_616 = arith.muli %scan3A_106, %mul3A_615 : i32
      %add3A_617 = arith.constant 15 : i32
      %add3A_618 = arith.addi %mul3A_616, %add3A_617 : i32
      %get3A_619 = arith.index_cast %add3A_618 : i32 to index
      %get3A_620 = arith.constant 32 : index
      %get3A_621 = tpu.vector_load %arg6[%get3A_619, %get3A_620] {strides = array<i32>} : memref<640x64xf32, #tpu.memory_space<vmem>>, vector<1x16xf32>,
      %get3A_622 = vector.shape_cast %get3A_621 : vector<1x16xf32> to vector<16xf32>
      %add3A_623 = arith.addf %add3A_614, %get3A_622 : vector<16xf32>
      %mul3A_624 = arith.constant 20 : i32
      %mul3A_625 = arith.muli %scan3A_106, %mul3A_624 : i32
      %add3A_626 = arith.constant 16 : i32
      %add3A_627 = arith.addi %mul3A_625, %add3A_626 : i32
      %get3A_628 = arith.index_cast %add3A_627 : i32 to index
      %get3A_629 = arith.constant 32 : index
      %get3A_630 = tpu.vector_load %arg6[%get3A_628, %get3A_629] {strides = array<i32>} : memref<640x64xf32, #tpu.memory_space<vmem>>, vector<1x16xf32>,
      %get3A_631 = vector.shape_cast %get3A_630 : vector<1x16xf32> to vector<16xf32>
      %add3A_632 = arith.addf %add3A_623, %get3A_631 : vector<16xf32>
      %mul3A_633 = arith.constant 20 : i32
      %mul3A_634 = arith.muli %scan3A_106, %mul3A_633 : i32
      %add3A_635 = arith.constant 17 : i32
      %add3A_636 = arith.addi %mul3A_634, %add3A_635 : i32
      %get3A_637 = arith.index_cast %add3A_636 : i32 to index
      %get3A_638 = arith.constant 32 : index
      %get3A_639 = tpu.vector_load %arg6[%get3A_637, %get3A_638] {strides = array<i32>} : memref<640x64xf32, #tpu.memory_space<vmem>>, vector<1x16xf32>,
      %get3A_640 = vector.shape_cast %get3A_639 : vector<1x16xf32> to vector<16xf32>
      %add3A_641 = arith.addf %add3A_632, %get3A_640 : vector<16xf32>
      %mul3A_642 = arith.constant 20 : i32
      %mul3A_643 = arith.muli %scan3A_106, %mul3A_642 : i32
      %add3A_644 = arith.constant 18 : i32
      %add3A_645 = arith.addi %mul3A_643, %add3A_644 : i32
      %get3A_646 = arith.index_cast %add3A_645 : i32 to index
      %get3A_647 = arith.constant 32 : index
      %get3A_648 = tpu.vector_load %arg6[%get3A_646, %get3A_647] {strides = array<i32>} : memref<640x64xf32, #tpu.memory_space<vmem>>, vector<1x16xf32>,
      %get3A_649 = vector.shape_cast %get3A_648 : vector<1x16xf32> to vector<16xf32>
      %add3A_650 = arith.addf %add3A_641, %get3A_649 : vector<16xf32>
      %mul3A_651 = arith.constant 20 : i32
      %mul3A_652 = arith.muli %scan3A_106, %mul3A_651 : i32
      %add3A_653 = arith.constant 19 : i32
      %add3A_654 = arith.addi %mul3A_652, %add3A_653 : i32
      %get3A_655 = arith.index_cast %add3A_654 : i32 to index
      %get3A_656 = arith.constant 32 : index
      %get3A_657 = tpu.vector_load %arg6[%get3A_655, %get3A_656] {strides = array<i32>} : memref<640x64xf32, #tpu.memory_space<vmem>>, vector<1x16xf32>,
      %get3A_658 = vector.shape_cast %get3A_657 : vector<1x16xf32> to vector<16xf32>
      %add3A_659 = arith.addf %add3A_650, %get3A_658 : vector<16xf32>
      %swap3A_660 = arith.index_cast %scan3A_106 : i32 to index
      %swap3A_661 = arith.constant 32 : index
      %swap3A_662 = tpu.vector_load %arg7[%swap3A_660, %swap3A_661] {strides = array<i32>} : memref<32x64xf32, #tpu.memory_space<vmem>>, vector<1x16xf32>,
      %swap3A_663 = vector.shape_cast %swap3A_662 : vector<1x16xf32> to vector<16xf32>
      %swap3A_664 = vector.shape_cast %add3A_659 : vector<16xf32> to vector<1x16xf32>
      tpu.vector_store %arg7[%swap3A_660, %swap3A_661], %swap3A_664 {strides = array<i32>} : memref<32x64xf32, #tpu.memory_space<vmem>>, vector<1x16xf32>,
      %broadcast_in_dim3A_665 = arith.constant 0.000000e+00 : f32
      %broadcast_in_dim3A_666 = vector.broadcast %broadcast_in_dim3A_665 : f32 to vector<16xf32>
      %mul3A_667 = arith.constant 20 : i32
      %mul3A_668 = arith.muli %scan3A_106, %mul3A_667 : i32
      %add3A_669 = arith.constant 0 : i32
      %add3A_670 = arith.addi %mul3A_668, %add3A_669 : i32
      %get3A_671 = arith.index_cast %add3A_670 : i32 to index
      %get3A_672 = arith.constant 48 : index
      %get3A_673 = tpu.vector_load %arg6[%get3A_671, %get3A_672] {strides = array<i32>} : memref<640x64xf32, #tpu.memory_space<vmem>>, vector<1x16xf32>,
      %get3A_674 = vector.shape_cast %get3A_673 : vector<1x16xf32> to vector<16xf32>
      %add3A_675 = arith.addf %broadcast_in_dim3A_666, %get3A_674 : vector<16xf32>
      %mul3A_676 = arith.constant 20 : i32
      %mul3A_677 = arith.muli %scan3A_106, %mul3A_676 : i32
      %add3A_678 = arith.constant 1 : i32
      %add3A_679 = arith.addi %mul3A_677, %add3A_678 : i32
      %get3A_680 = arith.index_cast %add3A_679 : i32 to index
      %get3A_681 = arith.constant 48 : index
      %get3A_682 = tpu.vector_load %arg6[%get3A_680, %get3A_681] {strides = array<i32>} : memref<640x64xf32, #tpu.memory_space<vmem>>, vector<1x16xf32>,
      %get3A_683 = vector.shape_cast %get3A_682 : vector<1x16xf32> to vector<16xf32>
      %add3A_684 = arith.addf %add3A_675, %get3A_683 : vector<16xf32>
      %mul3A_685 = arith.constant 20 : i32
      %mul3A_686 = arith.muli %scan3A_106, %mul3A_685 : i32
      %add3A_687 = arith.constant 2 : i32
      %add3A_688 = arith.addi %mul3A_686, %add3A_687 : i32
      %get3A_689 = arith.index_cast %add3A_688 : i32 to index
      %get3A_690 = arith.constant 48 : index
      %get3A_691 = tpu.vector_load %arg6[%get3A_689, %get3A_690] {strides = array<i32>} : memref<640x64xf32, #tpu.memory_space<vmem>>, vector<1x16xf32>,
      %get3A_692 = vector.shape_cast %get3A_691 : vector<1x16xf32> to vector<16xf32>
      %add3A_693 = arith.addf %add3A_684, %get3A_692 : vector<16xf32>
      %mul3A_694 = arith.constant 20 : i32
      %mul3A_695 = arith.muli %scan3A_106, %mul3A_694 : i32
      %add3A_696 = arith.constant 3 : i32
      %add3A_697 = arith.addi %mul3A_695, %add3A_696 : i32
      %get3A_698 = arith.index_cast %add3A_697 : i32 to index
      %get3A_699 = arith.constant 48 : index
      %get3A_700 = tpu.vector_load %arg6[%get3A_698, %get3A_699] {strides = array<i32>} : memref<640x64xf32, #tpu.memory_space<vmem>>, vector<1x16xf32>,
      %get3A_701 = vector.shape_cast %get3A_700 : vector<1x16xf32> to vector<16xf32>
      %add3A_702 = arith.addf %add3A_693, %get3A_701 : vector<16xf32>
      %mul3A_703 = arith.constant 20 : i32
      %mul3A_704 = arith.muli %scan3A_106, %mul3A_703 : i32
      %add3A_705 = arith.constant 4 : i32
      %add3A_706 = arith.addi %mul3A_704, %add3A_705 : i32
      %get3A_707 = arith.index_cast %add3A_706 : i32 to index
      %get3A_708 = arith.constant 48 : index
      %get3A_709 = tpu.vector_load %arg6[%get3A_707, %get3A_708] {strides = array<i32>} : memref<640x64xf32, #tpu.memory_space<vmem>>, vector<1x16xf32>,
      %get3A_710 = vector.shape_cast %get3A_709 : vector<1x16xf32> to vector<16xf32>
      %add3A_711 = arith.addf %add3A_702, %get3A_710 : vector<16xf32>
      %mul3A_712 = arith.constant 20 : i32
      %mul3A_713 = arith.muli %scan3A_106, %mul3A_712 : i32
      %add3A_714 = arith.constant 5 : i32
      %add3A_715 = arith.addi %mul3A_713, %add3A_714 : i32
      %get3A_716 = arith.index_cast %add3A_715 : i32 to index
      %get3A_717 = arith.constant 48 : index
      %get3A_718 = tpu.vector_load %arg6[%get3A_716, %get3A_717] {strides = array<i32>} : memref<640x64xf32, #tpu.memory_space<vmem>>, vector<1x16xf32>,
      %get3A_719 = vector.shape_cast %get3A_718 : vector<1x16xf32> to vector<16xf32>
      %add3A_720 = arith.addf %add3A_711, %get3A_719 : vector<16xf32>
      %mul3A_721 = arith.constant 20 : i32
      %mul3A_722 = arith.muli %scan3A_106, %mul3A_721 : i32
      %add3A_723 = arith.constant 6 : i32
      %add3A_724 = arith.addi %mul3A_722, %add3A_723 : i32
      %get3A_725 = arith.index_cast %add3A_724 : i32 to index
      %get3A_726 = arith.constant 48 : index
      %get3A_727 = tpu.vector_load %arg6[%get3A_725, %get3A_726] {strides = array<i32>} : memref<640x64xf32, #tpu.memory_space<vmem>>, vector<1x16xf32>,
      %get3A_728 = vector.shape_cast %get3A_727 : vector<1x16xf32> to vector<16xf32>
      %add3A_729 = arith.addf %add3A_720, %get3A_728 : vector<16xf32>
      %mul3A_730 = arith.constant 20 : i32
      %mul3A_731 = arith.muli %scan3A_106, %mul3A_730 : i32
      %add3A_732 = arith.constant 7 : i32
      %add3A_733 = arith.addi %mul3A_731, %add3A_732 : i32
      %get3A_734 = arith.index_cast %add3A_733 : i32 to index
      %get3A_735 = arith.constant 48 : index
      %get3A_736 = tpu.vector_load %arg6[%get3A_734, %get3A_735] {strides = array<i32>} : memref<640x64xf32, #tpu.memory_space<vmem>>, vector<1x16xf32>,
      %get3A_737 = vector.shape_cast %get3A_736 : vector<1x16xf32> to vector<16xf32>
      %add3A_738 = arith.addf %add3A_729, %get3A_737 : vector<16xf32>
      %mul3A_739 = arith.constant 20 : i32
      %mul3A_740 = arith.muli %scan3A_106, %mul3A_739 : i32
      %add3A_741 = arith.constant 8 : i32
      %add3A_742 = arith.addi %mul3A_740, %add3A_741 : i32
      %get3A_743 = arith.index_cast %add3A_742 : i32 to index
      %get3A_744 = arith.constant 48 : index
      %get3A_745 = tpu.vector_load %arg6[%get3A_743, %get3A_744] {strides = array<i32>} : memref<640x64xf32, #tpu.memory_space<vmem>>, vector<1x16xf32>,
      %get3A_746 = vector.shape_cast %get3A_745 : vector<1x16xf32> to vector<16xf32>
      %add3A_747 = arith.addf %add3A_738, %get3A_746 : vector<16xf32>
      %mul3A_748 = arith.constant 20 : i32
      %mul3A_749 = arith.muli %scan3A_106, %mul3A_748 : i32
      %add3A_750 = arith.constant 9 : i32
      %add3A_751 = arith.addi %mul3A_749, %add3A_750 : i32
      %get3A_752 = arith.index_cast %add3A_751 : i32 to index
      %get3A_753 = arith.constant 48 : index
      %get3A_754 = tpu.vector_load %arg6[%get3A_752, %get3A_753] {strides = array<i32>} : memref<640x64xf32, #tpu.memory_space<vmem>>, vector<1x16xf32>,
      %get3A_755 = vector.shape_cast %get3A_754 : vector<1x16xf32> to vector<16xf32>
      %add3A_756 = arith.addf %add3A_747, %get3A_755 : vector<16xf32>
      %mul3A_757 = arith.constant 20 : i32
      %mul3A_758 = arith.muli %scan3A_106, %mul3A_757 : i32
      %add3A_759 = arith.constant 10 : i32
      %add3A_760 = arith.addi %mul3A_758, %add3A_759 : i32
      %get3A_761 = arith.index_cast %add3A_760 : i32 to index
      %get3A_762 = arith.constant 48 : index
      %get3A_763 = tpu.vector_load %arg6[%get3A_761, %get3A_762] {strides = array<i32>} : memref<640x64xf32, #tpu.memory_space<vmem>>, vector<1x16xf32>,
      %get3A_764 = vector.shape_cast %get3A_763 : vector<1x16xf32> to vector<16xf32>
      %add3A_765 = arith.addf %add3A_756, %get3A_764 : vector<16xf32>
      %mul3A_766 = arith.constant 20 : i32
      %mul3A_767 = arith.muli %scan3A_106, %mul3A_766 : i32
      %add3A_768 = arith.constant 11 : i32
      %add3A_769 = arith.addi %mul3A_767, %add3A_768 : i32
      %get3A_770 = arith.index_cast %add3A_769 : i32 to index
      %get3A_771 = arith.constant 48 : index
      %get3A_772 = tpu.vector_load %arg6[%get3A_770, %get3A_771] {strides = array<i32>} : memref<640x64xf32, #tpu.memory_space<vmem>>, vector<1x16xf32>,
      %get3A_773 = vector.shape_cast %get3A_772 : vector<1x16xf32> to vector<16xf32>
      %add3A_774 = arith.addf %add3A_765, %get3A_773 : vector<16xf32>
      %mul3A_775 = arith.constant 20 : i32
      %mul3A_776 = arith.muli %scan3A_106, %mul3A_775 : i32
      %add3A_777 = arith.constant 12 : i32
      %add3A_778 = arith.addi %mul3A_776, %add3A_777 : i32
      %get3A_779 = arith.index_cast %add3A_778 : i32 to index
      %get3A_780 = arith.constant 48 : index
      %get3A_781 = tpu.vector_load %arg6[%get3A_779, %get3A_780] {strides = array<i32>} : memref<640x64xf32, #tpu.memory_space<vmem>>, vector<1x16xf32>,
      %get3A_782 = vector.shape_cast %get3A_781 : vector<1x16xf32> to vector<16xf32>
      %add3A_783 = arith.addf %add3A_774, %get3A_782 : vector<16xf32>
      %mul3A_784 = arith.constant 20 : i32
      %mul3A_785 = arith.muli %scan3A_106, %mul3A_784 : i32
      %add3A_786 = arith.constant 13 : i32
      %add3A_787 = arith.addi %mul3A_785, %add3A_786 : i32
      %get3A_788 = arith.index_cast %add3A_787 : i32 to index
      %get3A_789 = arith.constant 48 : index
      %get3A_790 = tpu.vector_load %arg6[%get3A_788, %get3A_789] {strides = array<i32>} : memref<640x64xf32, #tpu.memory_space<vmem>>, vector<1x16xf32>,
      %get3A_791 = vector.shape_cast %get3A_790 : vector<1x16xf32> to vector<16xf32>
      %add3A_792 = arith.addf %add3A_783, %get3A_791 : vector<16xf32>
      %mul3A_793 = arith.constant 20 : i32
      %mul3A_794 = arith.muli %scan3A_106, %mul3A_793 : i32
      %add3A_795 = arith.constant 14 : i32
      %add3A_796 = arith.addi %mul3A_794, %add3A_795 : i32
      %get3A_797 = arith.index_cast %add3A_796 : i32 to index
      %get3A_798 = arith.constant 48 : index
      %get3A_799 = tpu.vector_load %arg6[%get3A_797, %get3A_798] {strides = array<i32>} : memref<640x64xf32, #tpu.memory_space<vmem>>, vector<1x16xf32>,
      %get3A_800 = vector.shape_cast %get3A_799 : vector<1x16xf32> to vector<16xf32>
      %add3A_801 = arith.addf %add3A_792, %get3A_800 : vector<16xf32>
      %mul3A_802 = arith.constant 20 : i32
      %mul3A_803 = arith.muli %scan3A_106, %mul3A_802 : i32
      %add3A_804 = arith.constant 15 : i32
      %add3A_805 = arith.addi %mul3A_803, %add3A_804 : i32
      %get3A_806 = arith.index_cast %add3A_805 : i32 to index
      %get3A_807 = arith.constant 48 : index
      %get3A_808 = tpu.vector_load %arg6[%get3A_806, %get3A_807] {strides = array<i32>} : memref<640x64xf32, #tpu.memory_space<vmem>>, vector<1x16xf32>,
      %get3A_809 = vector.shape_cast %get3A_808 : vector<1x16xf32> to vector<16xf32>
      %add3A_810 = arith.addf %add3A_801, %get3A_809 : vector<16xf32>
      %mul3A_811 = arith.constant 20 : i32
      %mul3A_812 = arith.muli %scan3A_106, %mul3A_811 : i32
      %add3A_813 = arith.constant 16 : i32
      %add3A_814 = arith.addi %mul3A_812, %add3A_813 : i32
      %get3A_815 = arith.index_cast %add3A_814 : i32 to index
      %get3A_816 = arith.constant 48 : index
      %get3A_817 = tpu.vector_load %arg6[%get3A_815, %get3A_816] {strides = array<i32>} : memref<640x64xf32, #tpu.memory_space<vmem>>, vector<1x16xf32>,
      %get3A_818 = vector.shape_cast %get3A_817 : vector<1x16xf32> to vector<16xf32>
      %add3A_819 = arith.addf %add3A_810, %get3A_818 : vector<16xf32>
      %mul3A_820 = arith.constant 20 : i32
      %mul3A_821 = arith.muli %scan3A_106, %mul3A_820 : i32
      %add3A_822 = arith.constant 17 : i32
      %add3A_823 = arith.addi %mul3A_821, %add3A_822 : i32
      %get3A_824 = arith.index_cast %add3A_823 : i32 to index
      %get3A_825 = arith.constant 48 : index
      %get3A_826 = tpu.vector_load %arg6[%get3A_824, %get3A_825] {strides = array<i32>} : memref<640x64xf32, #tpu.memory_space<vmem>>, vector<1x16xf32>,
      %get3A_827 = vector.shape_cast %get3A_826 : vector<1x16xf32> to vector<16xf32>
      %add3A_828 = arith.addf %add3A_819, %get3A_827 : vector<16xf32>
      %mul3A_829 = arith.constant 20 : i32
      %mul3A_830 = arith.muli %scan3A_106, %mul3A_829 : i32
      %add3A_831 = arith.constant 18 : i32
      %add3A_832 = arith.addi %mul3A_830, %add3A_831 : i32
      %get3A_833 = arith.index_cast %add3A_832 : i32 to index
      %get3A_834 = arith.constant 48 : index
      %get3A_835 = tpu.vector_load %arg6[%get3A_833, %get3A_834] {strides = array<i32>} : memref<640x64xf32, #tpu.memory_space<vmem>>, vector<1x16xf32>,
      %get3A_836 = vector.shape_cast %get3A_835 : vector<1x16xf32> to vector<16xf32>
      %add3A_837 = arith.addf %add3A_828, %get3A_836 : vector<16xf32>
      %mul3A_838 = arith.constant 20 : i32
      %mul3A_839 = arith.muli %scan3A_106, %mul3A_838 : i32
      %add3A_840 = arith.constant 19 : i32
      %add3A_841 = arith.addi %mul3A_839, %add3A_840 : i32
      %get3A_842 = arith.index_cast %add3A_841 : i32 to index
      %get3A_843 = arith.constant 48 : index
      %get3A_844 = tpu.vector_load %arg6[%get3A_842, %get3A_843] {strides = array<i32>} : memref<640x64xf32, #tpu.memory_space<vmem>>, vector<1x16xf32>,
      %get3A_845 = vector.shape_cast %get3A_844 : vector<1x16xf32> to vector<16xf32>
      %add3A_846 = arith.addf %add3A_837, %get3A_845 : vector<16xf32>
      %swap3A_847 = arith.index_cast %scan3A_106 : i32 to index
      %swap3A_848 = arith.constant 48 : index
      %swap3A_849 = tpu.vector_load %arg7[%swap3A_847, %swap3A_848] {strides = array<i32>} : memref<32x64xf32, #tpu.memory_space<vmem>>, vector<1x16xf32>,
      %swap3A_850 = vector.shape_cast %swap3A_849 : vector<1x16xf32> to vector<16xf32>
      %swap3A_851 = vector.shape_cast %add3A_846 : vector<16xf32> to vector<1x16xf32>
      tpu.vector_store %arg7[%swap3A_847, %swap3A_848], %swap3A_851 {strides = array<i32>} : memref<32x64xf32, #tpu.memory_space<vmem>>, vector<1x16xf32>,
    }
    %scan3A_103 = arith.constant 32 : i32
    %mul3A_104 = arith.constant 32 : i32
    %mul3A_105 = arith.muli %add3A, %mul3A_104 : i32
    "tpu.region"() ({
      %run_scoped3A = tpu.sem_alloc : memref<!tpu.dma_semaphore, #tpu.memory_space<semaphore_mem>>
      %dma_start3A_106 = arith.constant 0 : i32
      %dma_start3A_107 = tpu.memref_slice %arg4[%mul3A_105, %dma_start3A_106] : memref<1024x64xf32, #tpu.memory_space<hbm>> -> memref<32x64xf32, #tpu.memory_space<hbm>>
      %dma_start3A_108 = arith.constant 0 : i32
      %dma_start3A_109 = tpu.memref_slice %arg4[%mul3A_105, %dma_start3A_108] : memref<1024x64xf32, #tpu.memory_space<hbm>> -> memref<32x64xf32, #tpu.memory_space<hbm>>
      tpu.enqueue_dma source(%arg7 : memref<32x64xf32, #tpu.memory_space<vmem>>) target(%dma_start3A_109 : memref<32x64xf32, #tpu.memory_space<hbm>>) target_semaphore(%run_scoped3A : memref<!tpu.dma_semaphore, #tpu.memory_space<semaphore_mem>>)
      %dma_wait3A_110 = arith.constant 0 : i32
      %dma_wait3A_111 = tpu.memref_slice %arg4[%mul3A_105, %dma_wait3A_110] : memref<1024x64xf32, #tpu.memory_space<hbm>> -> memref<32x64xf32, #tpu.memory_space<hbm>>
      %dma_wait3A_112 = arith.constant 0 : i32
      %dma_wait3A_113 = tpu.memref_slice %arg4[%mul3A_105, %dma_wait3A_112] : memref<1024x64xf32, #tpu.memory_space<hbm>> -> memref<32x64xf32, #tpu.memory_space<hbm>>
      tpu.wait_dma2 semaphore(%run_scoped3A : memref<!tpu.dma_semaphore, #tpu.memory_space<semaphore_mem>>) src(%arg7 : memref<32x64xf32, #tpu.memory_space<vmem>>) dst(%dma_wait3A_113 : memref<32x64xf32, #tpu.memory_space<hbm>>)
      tpu.yield
    }) : () -> ()
    return
  }
}

module attributes {stable_mosaic.version = 14 : i64} {
  func.func @_fused_body(%arg0: i32, %arg1: memref<32x64xf32, #tpu.memory_space<vmem>>, %arg2: memref<64x100096xf32, #tpu.memory_space<vmem>>, %arg3: memref<32x100096xf32, #tpu.memory_space<vmem>>) attributes {dimension_semantics = [#tpu.dimension_semantics<arbitrary>], iteration_bounds = array<i64: 32>, scalar_prefetch = 0 : i64, scratch_operands = 0 : i64, tpu.core_type = #tpu.core_type<tc>, window_params = [{transform_indices = @transform_0, window_bounds = array<i64: 32, 64>}, {pipeline_mode = #tpu.pipeline_mode<synchronous>, transform_indices = @transform_1, window_bounds = array<i64: 64, 100096>}, {transform_indices = @transform_2, window_bounds = array<i64: 32, 100096>}]} {
    %get3A = arith.constant 0 : index
    %get3A_0 = arith.constant 0 : index
    %get3A_1 = vector.load %arg1[%get3A, %get3A_0] : memref<32x64xf32, #tpu.memory_space<vmem>>, vector<32x64xf32>
    %get3A_2 = arith.constant 0 : index
    %get3A_3 = arith.constant 0 : index
    %get3A_4 = vector.load %arg2[%get3A_2, %get3A_3] : memref<64x100096xf32, #tpu.memory_space<vmem>>, vector<64x100096xf32>
    %dot_general3A = arith.constant dense<0.000000e+00> : vector<32x100096xf32>
    %dot_general3A_5 = tpu.matmul %get3A_1, %get3A_4, %dot_general3A {dimension_numbers = #tpu.dot_dimension_numbers<[1], [0], [0], [1], [0, 0, 1, 1], [], []>, transpose_lhs_hint = false} : vector<32x64xf32>, vector<64x100096xf32>, vector<32x100096xf32> -> vector<32x100096xf32>
    %slice3A = vector.extract_strided_slice %dot_general3A_5 {offsets = [0, 0], sizes = [32, 100000], strides = [1, 1]} : vector<32x100096xf32> to vector<32x100000xf32>
    %exp3A = math.exp %slice3A : vector<32x100000xf32>
    %reduce_sum3A = arith.constant dense<0.000000e+00> : vector<32xf32>
    %reduce_sum3A_6 = vector.multi_reduction <add>, %exp3A, %reduce_sum3A [1] : vector<32x100000xf32> to vector<32xf32>
    %broadcast_in_dim3A = vector.shape_cast %reduce_sum3A_6 : vector<32xf32> to vector<32x1xf32>
    %log3A = math.log %broadcast_in_dim3A : vector<32x1xf32>
    %sub3A = vector.broadcast %log3A : vector<32x1xf32> to vector<32x100096xf32>
    %sub3A_7 = arith.subf %dot_general3A_5, %sub3A : vector<32x100096xf32>
    %swap3A = arith.constant 0 : index
    %swap3A_8 = arith.constant 0 : index
    %swap3A_9 = vector.load %arg3[%swap3A, %swap3A_8] : memref<32x100096xf32, #tpu.memory_space<vmem>>, vector<32x100096xf32>
    tpu.vector_store %arg3[%swap3A, %swap3A_8], %sub3A_7 {strides = array<i32>} : memref<32x100096xf32, #tpu.memory_space<vmem>>, vector<32x100096xf32>,
    return
  }
  func.func @transform_0(%arg0: i32) -> (i32, i32) {
    %c0_i32 = arith.constant 0 : i32
    %c0_i32_0 = arith.constant 0 : i32
    return %arg0, %c0_i32 : i32, i32
  }
  func.func @transform_1(%arg0: i32) -> (i32, i32) {
    %c0_i32 = arith.constant 0 : i32
    %c0_i32_0 = arith.constant 0 : i32
    %c0_i32_1 = arith.constant 0 : i32
    return %c0_i32, %c0_i32_0 : i32, i32
  }
  func.func @transform_2(%arg0: i32) -> (i32, i32) {
    %c0_i32 = arith.constant 0 : i32
    %c0_i32_0 = arith.constant 0 : i32
    return %arg0, %c0_i32 : i32, i32
  }
}

</mosaic_0001>

<sc_bundles>
// kernel: kernel.4.cloned.1.call-start
scs
__scs_entry_jumppad:
0x0: {  	(pc) =	sbr.rel $0x88, $3  }
0x1: {  	(tag) =	ssettag $0x0;
	lr =	simm.s32 $0x1  }
0x2: {  	[smem:$0x3F9E] =	sst lr;
	_ =	strace $0xD0000000  }
0x3: {  	_ = 	snop  }
0x4: {  	_ = 	snop  }
0x5: {  	_ = 	snop  }
0x6: {  	_ = 	snop  }
0x7: {  	_ = 	snop  }
__scs_overlays_trampoline_lowered:
0x8: {  	[smem:$0x3FAD] =	sst s0  }
0x9: {  	[smem:$0x3FAE] =	sst s1  }
0xa: {  	[smem:$0x3FAF] =	sst s2  }
0xb: {  	[smem:$0x3FB0] =	sst s3  }
0xc: {  	[smem:$0x3FB1] =	sst s4  }
0xd: {  	[smem:$0x3FB2] =	sst s5  }
0xe: {  	[smem:$0x3FB3] =	sst s6  }
0xf: {  	[smem:$0x3FB4] =	sst s7  }
0x10: {  	[smem:$0x3FB5] =	sst s8  }
0x11: {  	[smem:$0x3FB6] =	sst s9;
	s0 =	simm.s32 @!p0 $0x0  }
0x12: {  	s1 =	sld [smem:$0x3F9C];
	s0 =	simm.s32 @p0 $0x1  }
0x13: {  	[smem:$0x3FB7] =	sst s0;
	s0 =	simm.s32 @!p1 $0x0  }
0x14: {  	s2 =	sld [smem:$0x3F9B];
	s0 =	simm.s32 @p1 $0x1  }
0x15: {  	[smem:$0x3FB8] =	sst s0;
	s0 =	simm.s32 @!p2 $0x0  }
0x16: {  	s3 =	sld [smem:$0x3FDB];
	s0 =	simm.s32 @p2 $0x1  }
0x17: {  	s4 =	simm.s32 $0x1BF5;
	[smem:$0x3FBA] =	sst s0  }
0x18: {  	s0 =	sld [smem:$0x3F9D];
	_ =	swait.ge [sflag:s4], $0x0  }
0x19: {  	s7 =	sld [smem:$0x3F9E]  }
0x1a: {  	s8 =	sadd.s32 $0xFFFFE003, lr  }
0x1b: {  	s9 =	sadd.s32 $0xFFFFFEF7, lr;
	s5 =	simm.s32 $0xFFFFFFFF;
	p2 =	slt.u32 s8, $0xFFFFF086  }
0x1c: {  	p1 =	slt.u32 s9, $0xF7A;
	s5 =	simm.s32 @!p2 $0x0  }
0x1d: {  	s5 =	simm.s32 @p1 $0x1;
	p0 =	seq.s32 s7, s2  }
0x1e: {  	s7 =	smul.u32 @!p0 $0xF7A, s2;
	p2 =	seq.s32 @!p0 s5, $0x0  }
0x1f: {  	s9 =	smul.u32 $0xF7A, s1;
	s8 =	simm.s32 @!p0 $0x1BF5;
	p2 =	por !p2, p0  }
0x20: {  	[sflag:s8] =	ssyncset.s32 @!p0 $0xFFFFF086;
	s6 =	sadd.s32 @!p0 s3, s7;
	s7 =	simm.s32 @!p0 $0x108  }
0x21: {  	s3 =	sadd.s32 s3, s9;
	s6 =	sadd.s32 @!p0 $0x88, s6;
	s7 =	simm.s32 @p2 $0x1082  }
0x22: {  	[simem:s7], [sflag:s8] =	dma.local @!p0 [hbm:s6], $0xF7A  }
0x23: {  	s9 =	sor.u32 $0xD0000000, s2;
	s6 =	simm.s32 $0x108;
	_ =	swait.ge @!p0 [sflag:s8], $0x0  }
0x24: {  	s3 =	sadd.s32 $0x88, s3;
	s6 =	simm.s32 @!p1 $0x1082;
	[sflag:s4] =	ssyncset.s32 $0xFFFFF086  }
0x25: {  	[simem:s6], [sflag:s4] =	dma.local [hbm:s3], $0xF7A  }
0x26: {  	[smem:$0x3F9E] =	sst s1;
	(tag) =	ssettag s2;
	_ =	strace s9  }
0x27: {  	s1 =	sld [smem:$0x3FAE]  }
0x28: {  	s2 =	sld [smem:$0x3FAF]  }
0x29: {  	s4 =	sld [smem:$0x3FB1]  }
0x2a: {  	p0 =	seq.s32 s5, $0x0;
	s5 =	sld [smem:$0x3FB2]  }
0x2b: {  	s6 =	sld [smem:$0x3FB3]  }
0x2c: {  	s7 =	sld [smem:$0x3FB4]  }
0x2d: {  	s3 =	simm.s32 $0x108;
	s8 =	sld [smem:$0x3FB5]  }
0x2e: {  	s3 =	simm.s32 @!p0 $0x1082;
	s9 =	sld [smem:$0x3FB6]  }
0x2f: {  	lr =	sadd.s32 s0, s3;
	s0 =	sld [smem:$0x3FAD]  }
0x30: {  	s3 =	sld [smem:$0x3FB0]  }
0x31: {  	[smem:$0x3FB9] =	sst s10  }
0x32: {  	s10 =	sld [smem:$0x3FB7];
	_ =	sdelay $0x3  }
0x33: {  	p0 =	seq.s32 s10, $0x1;
	s10 =	sld [smem:$0x3FB9];
	_ =	sdelay $0x3  }
0x34: {  	[smem:$0x3FB9] =	sst s10  }
0x35: {  	s10 =	sld [smem:$0x3FB8];
	_ =	sdelay $0x3  }
0x36: {  	p1 =	seq.s32 s10, $0x1;
	s10 =	sld [smem:$0x3FB9];
	_ =	sdelay $0x3  }
0x37: {  	[smem:$0x3FB9] =	sst s10  }
0x38: {  	s10 =	sld [smem:$0x3FBA]  }
0x39: {  	_ = 	snop;
	(pc) =	sbr.ind lr, $3  }
0x3a: {  	_ = 	snop  }
0x3b: {  	_ = 	snop  }
0x3c: {  	p2 =	seq.s32 s10, $0x1;
	s10 =	sld [smem:$0x3FB9]  }
0x3d: {  	_ =	shalt  }
0x3e: {  	_ =	shalt  }
0x3f: {  	_ =	shalt  }
0x40: {  	_ =	shalt  }
0x41: {  	_ =	shalt  }
0x42: {  	_ =	shalt  }
0x43: {  	_ =	shalt  }
0x44: {  	_ =	shalt  }
0x45: {  	_ =	shalt  }
0x46: {  	_ =	shalt  }
0x47: {  	_ =	shalt  }
0x48: {  	_ =	shalt  }
0x49: {  	_ =	shalt  }
0x4a: {  	_ =	shalt  }
0x4b: {  	_ =	shalt  }
0x4c: {  	_ =	shalt  }
0x4d: {  	_ =	shalt  }
0x4e: {  	_ =	shalt  }
0x4f: {  	_ =	shalt  }
0x50: {  	_ =	shalt  }
0x51: {  	_ =	shalt  }
0x52: {  	_ =	shalt  }
0x53: {  	_ =	shalt  }
0x54: {  	_ =	shalt  }
0x55: {  	_ =	shalt  }
0x56: {  	_ =	shalt  }
0x57: {  	_ =	shalt  }
0x58: {  	_ =	shalt  }
0x59: {  	_ =	shalt  }
0x5a: {  	_ =	shalt  }
0x5b: {  	_ =	shalt  }
0x5c: {  	_ =	shalt  }
0x5d: {  	_ =	shalt  }
0x5e: {  	_ =	shalt  }
0x5f: {  	_ =	shalt  }
0x60: {  	_ =	shalt  }
0x61: {  	_ =	shalt  }
0x62: {  	_ =	shalt  }
0x63: {  	_ =	shalt  }
0x64: {  	_ =	shalt  }
0x65: {  	_ =	shalt  }
0x66: {  	_ =	shalt  }
0x67: {  	_ =	shalt  }
0x68: {  	_ =	shalt  }
0x69: {  	_ =	shalt  }
0x6a: {  	_ =	shalt  }
0x6b: {  	_ =	shalt  }
0x6c: {  	_ =	shalt  }
0x6d: {  	_ =	shalt  }
0x6e: {  	_ =	shalt  }
0x6f: {  	_ =	shalt  }
0x70: {  	_ =	shalt  }
0x71: {  	_ =	shalt  }
0x72: {  	_ =	shalt  }
0x73: {  	_ =	shalt  }
0x74: {  	_ =	shalt  }
0x75: {  	_ =	shalt  }
0x76: {  	_ =	shalt  }
0x77: {  	_ =	shalt  }
0x78: {  	_ =	shalt  }
0x79: {  	_ =	shalt  }
0x7a: {  	_ =	shalt  }
0x7b: {  	_ =	shalt  }
0x7c: {  	_ =	shalt  }
0x7d: {  	_ =	shalt  }
0x7e: {  	_ =	shalt  }
0x7f: {  	_ =	shalt  }
0x80: {  	_ =	shalt  }
0x81: {  	_ =	shalt  }
0x82: {  	_ =	shalt  }
0x83: {  	_ =	shalt  }
0x84: {  	_ =	shalt  }
0x85: {  	_ =	shalt  }
0x86: {  	_ =	shalt  }
0x87: {  	_ =	shalt  }
.Lfunc_end0:
.L_simem_size_0:
called_computation.1_lowered:
.L_overlay_start_0:
0x88: {  	s2 =	sld [smem:$0x3FD9]  }
0x89: {  	s3 =	sld [smem:$0x3FFE];
	_ =	sdelay $0x1  }
0x8a: {  	s1 =	srdreg.scid  }
0x8b: {  	s0 =	sand.u32 $0x1, s1  }
0x8c: {  	s16 =	sshll.u32 s0, $0xA;
	s2 =	sadd.s32 s3, s2  }
0x8d: {  	s2 =	sadd.s32 s2, s16  }
0x8e: {  	[smem:$0x3FC5] =	sst s2  }
0x8f: {  	_ = 	snop  }
0x90: {  	(tm) =	ssettm $0x1  }
0x91: {  	s17 =	sld [smem:$0x3FFB];
	_ =	sdelay $0x3  }
0x92: {  	_ =	strace s17  }
0x93: {  	s2 =	sld [smem:$0x3FFC];
	_ =	sdelay $0x3  }
0x94: {  	_ =	strace s2  }
0x95: {  	s2 =	sld [smem:$0x3FFD];
	_ =	sdelay $0x3  }
0x96: {  	_ =	strace s2  }
0x97: {  	_ =	strace $0x8FFFFFFF  }
0x98: {  	s18 =	sld [smem:$0x3FDB];
	_ =	sdelay $0x1  }
0x99: {  	s19 =	simm.s32 $_scs_section_size  }
0x9a: {  	s4 =	simm.s32 $_size__tile_overlayer_lowered;
	s5 =	simm.s32 $_tile_overlayer_lowered  }
0x9b: {  	s22 =	simm.s32 $0x1BFF;
	s21 =	sshll.u32 s5, $0x1;
	s2 =	sadd.s32 s19, s18  }
0x9c: {  	s6 =	simm.s32 $0x0;
	s20 =	sshll.u32 s4, $0x1;
	s4 =	sadd.s32 s21, s2  }
0x9d: {  	[timem:s6], [sflag:s22] =	dma.local [hbm:s4], s20  }
0x9e: {  	_ =	swait.ge [sflag:s22], s20  }
0x9f: {  	s3 =	ssub.s32 $0x0, s20;
	[sflag:s22] =	ssyncset.done $0x0  }
0xa0: {  	[sflag:s22] =	ssyncadd.s32 s3;
	_ =	sdelay $0x1  }
0xa1: {  	s23 =	simm.s32 $0x1B8B  }
0xa2: {  	_ =	swait.ge [sflag:s23], $0x1  }
0xa3: {  	[sflag:s23] =	ssyncset.done $0x0  }
0xa4: {  	s25 =	simm.s32 $0x1B8E;
	s24 =	sld [smem:$0x3FFE];
	[sflag:s23] =	ssyncadd.s32 $0xFFFFFFFF  }
0xa5: {  	s26 =	simm.s32 $execute0_lowered;
	[smem:$0x3FD2] =	sst s25  }
0xa6: {  	s4 =	sshll.u32 s26, $0x1;
	_ =	strace $0x80000046;
	[dreg:$0x1] =	wrdreg $0xFFFFFFFF  }
0xa7: {  	s28 =	simm.s32 $_size_execute0_lowered;
	s2 =	sadd.s32 s2, s4;
	[dreg:$0x0] =	wrdreg $0x0  }
0xa8: {  	s4 =	sshll.u32 s28, $0x1;
	[dreg:$0x2] =	wrdreg s2  }
0xa9: {  	[dreg:$0x3] =	wrdreg s4  }
0xaa: {  	[dreg:$0x4] =	wrdreg $0xC0  }
0xab: {  	_ =	task [dreg:s6], $0x5FFFF  }
0xac: {  	[dreg:$0x1] =	wrdreg $0xFFFFFFFF  }
0xad: {  	[dreg:$0x0] =	wrdreg $0x60  }
0xae: {  	[dreg:$0x2] =	wrdreg s24  }
0xaf: {  	[dreg:$0x3] =	wrdreg $0x9  }
0xb0: {  	_ =	task.clear_ibuf [dreg:s6], $0x4FFFF;
	_ =	strace $0x90000046  }
0xb1: {  	s29 =	simm.s32 $0x9;
	_ =	strace $0x80000048  }
0xb2: {  	_ =	swait.ge [sflag:s29], $0x1  }
0xb3: {  	[sflag:s29] =	ssyncadd.s32 $0xFFFFFFFF  }
0xb4: {  	_ =	strace $0x90000048  }
0xb5: {  	_ =	sfence  }
0xb6: {  	s30 =	sld [smem:$0x0];
	_ =	sdelay $0x2  }
0xb7: {  	s31 =	sshll.u32 s1, $0xD;
	s1 =	sshrl.u32 s1, $0x2  }
0xb8: {  	s3 =	sand.u32 $0x4000, s31;
	s1 =	sadd.s32 s1, s30  }
0xb9: {  	s0 =	sor.u32 s3, s0;
	s1 =	sshll.u32 s1, $0x11  }
0xba: {  	s0 =	sor.u32 s1, s0  }
0xbb: {  	s0 =	sadd.s32 $0x8F2B, s0  }
0xbc: {  	[sflag:s0] =	ssyncadd.remote.s32 $0x1  }
0xbd: {  	_ =	sfence.sel $0xFFFF  }
0xbe: {  	[dreg:$0x0] =	wrdreg $0xFFFFFFFF;
	(pc) =	sbr.abs _section_cstart, $3  }
0xbf: {  	[dreg:$0x1] =	wrdreg $0xFFFFFFFF  }
0xc0: {  	_ =	task.clear_ibuf [dreg:s6], $0x2FFFF;
	_ =	strace $0x9FFFFFFF  }
0xc1: {  	(tm) =	ssettm $0x7FFFFFFF  }
tec
execute0_lowered:
.L_overlay_start_1:
0x0: {  	(tag) =	ssettag $0x1  }
0x1: {  	s1 =	srdreg.scid  }
0x2: {  	s0 =	stileid.u32;
	s4 =	rddreg [dreg:$0x0];
	s2 =	simm.s32 $0x0  }
0x3: {  	s9 =	simm.s32 $0x280;
	s10 =	simm.s32 $0x2280;
	s11 =	simm.s32 $0x100  }
0x4: {  	s12 =	simm.s32 $0x4280;
	s13 =	simm.s32 $0x180;
	s14 =	simm.s32 $0x6280  }
0x5: {  	s15 =	simm.s32 $0x200;
	s16 =	simm.s32 $0x8280;
	s17 =	simm.s32 $0x1  }
0x6: {  	s18 =	simm.s32 $0xA280;
	s3 =	sand.u32 $0x1, s1;
	s1 =	rddreg [dreg:$0x1]  }
0x7: {  	s19 =	simm.s32 $0x0;
	s31 =	sshll.u32 s0, $0x1;
	[smem:$0x7FF] =	sst s2  }
0x8: {  	s5 =	sor.u32 s3, s31;
	_ =	strace $0x80000047;
	s7 =	ssub.s32 $0x2, s3  }
0x9: {  	s6 =	smul.u32 $0x50, s5;
	s5 =	sshll.u32 s5, $0x8;
	s8 =	sshrl.u32 s7, $0x1  }
0xa: {  	s3 =	sadd.s32 $0x2E00, s4;
	s5 =	sadd.s32 s5, s4;
	s7 =	ssub.s32 s7, s8  }
0xb: {  	s8 =	simm.s32 $0x80;
	s6 =	sadd.s32 s6, s4;
	s5 =	sadd.s32 $0xC6400, s5  }
0xc: {  	s4 =	sadd.s32 $0x2400, s6;
	s6 =	smax.u32 s7, $0x1;
	s7 =	simm.s32 $0x2  }
.LBB2_1:
0xd: {  	[tilespmem:s2], [sflag:$0x2] =	stream.linear.gather [hbm4b:s4+s2], $0x280, $0x38;
	[tilespmem:$0xAA80] =	vst v63  }
0xe: {  	_ =	swait.ge [sflag:s7], $0x280  }
0xf: {  	[sflag:s7] =	ssyncset.done $0x0  }
0x10: {  	[sflag:s7] =	ssyncadd.s32 $0xFFFFFD80  }
0x11: {  	[tilespmem:s9], [sflag:$0x1] =	stream.indirect.gather [hbm4b:s3+s8], $0x40, s2, s8, $0xb8;
	[tilespmem:$0xAA80] =	vst v63  }
0x12: {  	_ = 	snop  }
0x13: {  	[tilespmem:s10], [sflag:$0x1] =	stream.indirect.gather [hbm4b:s3+s8], $0x40, s8, s8, $0xb8;
	[tilespmem:$0xAA80] =	vst v63  }
0x14: {  	_ = 	snop  }
0x15: {  	[tilespmem:s12], [sflag:$0x1] =	stream.indirect.gather [hbm4b:s3+s8], $0x40, s11, s8, $0xb8;
	[tilespmem:$0xAA80] =	vst v63  }
0x16: {  	_ = 	snop  }
0x17: {  	[tilespmem:s14], [sflag:$0x1] =	stream.indirect.gather [hbm4b:s3+s8], $0x40, s13, s8, $0xb8;
	[tilespmem:$0xAA80] =	vst v63  }
0x18: {  	_ = 	snop  }
0x19: {  	[tilespmem:s16], [sflag:$0x1] =	stream.indirect.gather [hbm4b:s3+s8], $0x40, s15, s8, $0xb8;
	[tilespmem:$0xAA80] =	vst v63  }
0x1a: {  	_ =	swait.ge [sflag:s17], $0x2000  }
0x1b: {  	[sflag:s17] =	ssyncset.done $0x0  }
0x1c: {  	[sflag:s17] =	ssyncadd.s32 $0xFFFFE000  }
0x1d: {  	_ =	swait.ge [sflag:s17], $0x2000  }
0x1e: {  	[sflag:s17] =	ssyncset.done $0x0  }
0x1f: {  	[sflag:s17] =	ssyncadd.s32 $0xFFFFE000  }
0x20: {  	_ =	swait.ge [sflag:s17], $0x2000  }
0x21: {  	[sflag:s17] =	ssyncset.done $0x0  }
0x22: {  	[sflag:s17] =	ssyncadd.s32 $0xFFFFE000  }
0x23: {  	_ =	swait.ge [sflag:s17], $0x2000  }
0x24: {  	[sflag:s17] =	ssyncset.done $0x0  }
0x25: {  	[sflag:s17] =	ssyncadd.s32 $0xFFFFE000  }
0x26: {  	_ =	swait.ge [sflag:s17], $0x2000  }
0x27: {  	[sflag:s17] =	ssyncset.done $0x0  }
0x28: {  	s20 =	simm.s32 $0x500;
	[sflag:s17] =	ssyncadd.s32 $0xFFFFE000  }
0x29: {  	v0 =	vld [tilespmem:s20+$0xFFFFFD80];
	_ =	sdelay $0x1  }
0x2a: {  	v1 =	vld [tilespmem:s20+$0xFFFFFDC0];
	_ =	sdelay $0x1  }
0x2b: {  	v2 =	vld [tilespmem:s20+$0xFFFFFE00]  }
0x2c: {  	v0 =	vadd.f32 $0.0e+00, v0  }
0x2d: {  	v3 =	vld [tilespmem:s20+$0xFFFFFE40]  }
0x2e: {  	v0 =	vadd.f32 v1, v0  }
0x2f: {  	v1 =	vld [tilespmem:s20+$0xFFFFFE80]  }
0x30: {  	v0 =	vadd.f32 v2, v0  }
0x31: {  	v2 =	vld [tilespmem:s20+$0xFFFFFEC0]  }
0x32: {  	v0 =	vadd.f32 v3, v0  }
0x33: {  	v3 =	vld [tilespmem:s20+$0xFFFFFF00]  }
0x34: {  	v0 =	vadd.f32 v1, v0  }
0x35: {  	v1 =	vld [tilespmem:s20+$0xFFFFFF40]  }
0x36: {  	v0 =	vadd.f32 v2, v0  }
0x37: {  	v2 =	vld [tilespmem:s20+$0xFFFFFF80]  }
0x38: {  	v0 =	vadd.f32 v3, v0  }
0x39: {  	v3 =	vld [tilespmem:s20+$0xFFFFFFC0]  }
0x3a: {  	v0 =	vadd.f32 v1, v0  }
0x3b: {  	v1 =	vld [tilespmem:s20+$0x0]  }
0x3c: {  	v0 =	vadd.f32 v2, v0  }
0x3d: {  	v2 =	vld [tilespmem:s20+$0x40]  }
0x3e: {  	v0 =	vadd.f32 v3, v0  }
0x3f: {  	v3 =	vld [tilespmem:s20+$0x80]  }
0x40: {  	v0 =	vadd.f32 v1, v0  }
0x41: {  	v1 =	vld [tilespmem:s20+$0xC0]  }
0x42: {  	v0 =	vadd.f32 v2, v0  }
0x43: {  	v2 =	vld [tilespmem:s20+$0x100]  }
0x44: {  	v0 =	vadd.f32 v3, v0  }
0x45: {  	v3 =	vld [tilespmem:s20+$0x140]  }
0x46: {  	v0 =	vadd.f32 v1, v0  }
0x47: {  	v1 =	vld [tilespmem:s20+$0x180]  }
0x48: {  	v0 =	vadd.f32 v2, v0  }
0x49: {  	v2 =	vld [tilespmem:s20+$0x1C0]  }
0x4a: {  	v0 =	vadd.f32 v3, v0  }
0x4b: {  	v3 =	vld [tilespmem:s20+$0x200]  }
0x4c: {  	v0 =	vadd.f32 v1, v0  }
0x4d: {  	v1 =	vld [tilespmem:s20+$0x240]  }
0x4e: {  	v0 =	vadd.f32 v2, v0;
	_ =	sdelay $0x1  }
0x4f: {  	v0 =	vadd.f32 v3, v0;
	_ =	sdelay $0x1  }
0x50: {  	v0 =	vadd.f32 v1, v0  }
0x51: {  	s21 =	simm.s32 $0x0  }
0x52: {  	[tilespmem:s21+$0xA280] =	vst v0  }
0x53: {  	v0 =	vld [tilespmem:s20+$0xFFFFFD90];
	_ =	sdelay $0x1  }
0x54: {  	v1 =	vld [tilespmem:s20+$0xFFFFFDD0];
	_ =	sdelay $0x1  }
0x55: {  	v2 =	vld [tilespmem:s20+$0xFFFFFE10]  }
0x56: {  	v0 =	vadd.f32 $0.0e+00, v0  }
0x57: {  	v3 =	vld [tilespmem:s20+$0xFFFFFE50]  }
0x58: {  	v0 =	vadd.f32 v1, v0  }
0x59: {  	v1 =	vld [tilespmem:s20+$0xFFFFFE90]  }
0x5a: {  	v0 =	vadd.f32 v2, v0  }
0x5b: {  	v2 =	vld [tilespmem:s20+$0xFFFFFED0]  }
0x5c: {  	v0 =	vadd.f32 v3, v0  }
0x5d: {  	v3 =	vld [tilespmem:s20+$0xFFFFFF10]  }
0x5e: {  	v0 =	vadd.f32 v1, v0  }
0x5f: {  	v1 =	vld [tilespmem:s20+$0xFFFFFF50]  }
0x60: {  	v0 =	vadd.f32 v2, v0  }
0x61: {  	v2 =	vld [tilespmem:s20+$0xFFFFFF90]  }
0x62: {  	v0 =	vadd.f32 v3, v0  }
0x63: {  	v3 =	vld [tilespmem:s20+$0xFFFFFFD0]  }
0x64: {  	v0 =	vadd.f32 v1, v0  }
0x65: {  	v1 =	vld [tilespmem:s20+$0x10]  }
0x66: {  	v0 =	vadd.f32 v2, v0  }
0x67: {  	v2 =	vld [tilespmem:s20+$0x50]  }
0x68: {  	v0 =	vadd.f32 v3, v0  }
0x69: {  	v3 =	vld [tilespmem:s20+$0x90]  }
0x6a: {  	v0 =	vadd.f32 v1, v0  }
0x6b: {  	v1 =	vld [tilespmem:s20+$0xD0]  }
0x6c: {  	v0 =	vadd.f32 v2, v0  }
0x6d: {  	v2 =	vld [tilespmem:s20+$0x110]  }
0x6e: {  	v0 =	vadd.f32 v3, v0  }
0x6f: {  	v3 =	vld [tilespmem:s20+$0x150]  }
0x70: {  	v0 =	vadd.f32 v1, v0  }
0x71: {  	v1 =	vld [tilespmem:s20+$0x190]  }
0x72: {  	v0 =	vadd.f32 v2, v0  }
0x73: {  	v2 =	vld [tilespmem:s20+$0x1D0]  }
0x74: {  	v0 =	vadd.f32 v3, v0  }
0x75: {  	v3 =	vld [tilespmem:s20+$0x210]  }
0x76: {  	v0 =	vadd.f32 v1, v0  }
0x77: {  	v1 =	vld [tilespmem:s20+$0x250]  }
0x78: {  	v0 =	vadd.f32 v2, v0;
	_ =	sdelay $0x1  }
0x79: {  	v0 =	vadd.f32 v3, v0;
	_ =	sdelay $0x1  }
0x7a: {  	v0 =	vadd.f32 v1, v0;
	_ =	sdelay $0x1  }
0x7b: {  	[tilespmem:s21+$0xA290] =	vst v0  }
0x7c: {  	v0 =	vld [tilespmem:s20+$0xFFFFFDA0];
	_ =	sdelay $0x1  }
0x7d: {  	v1 =	vld [tilespmem:s20+$0xFFFFFDE0];
	_ =	sdelay $0x1  }
0x7e: {  	v2 =	vld [tilespmem:s20+$0xFFFFFE20]  }
0x7f: {  	v0 =	vadd.f32 $0.0e+00, v0  }
0x80: {  	v3 =	vld [tilespmem:s20+$0xFFFFFE60]  }
0x81: {  	v0 =	vadd.f32 v1, v0  }
0x82: {  	v1 =	vld [tilespmem:s20+$0xFFFFFEA0]  }
0x83: {  	v0 =	vadd.f32 v2, v0  }
0x84: {  	v2 =	vld [tilespmem:s20+$0xFFFFFEE0]  }
0x85: {  	v0 =	vadd.f32 v3, v0  }
0x86: {  	v3 =	vld [tilespmem:s20+$0xFFFFFF20]  }
0x87: {  	v0 =	vadd.f32 v1, v0  }
0x88: {  	v1 =	vld [tilespmem:s20+$0xFFFFFF60]  }
0x89: {  	v0 =	vadd.f32 v2, v0  }
0x8a: {  	v2 =	vld [tilespmem:s20+$0xFFFFFFA0]  }
0x8b: {  	v0 =	vadd.f32 v3, v0  }
0x8c: {  	v3 =	vld [tilespmem:s20+$0xFFFFFFE0]  }
0x8d: {  	v0 =	vadd.f32 v1, v0  }
0x8e: {  	v1 =	vld [tilespmem:s20+$0x20]  }
0x8f: {  	v0 =	vadd.f32 v2, v0  }
0x90: {  	v2 =	vld [tilespmem:s20+$0x60]  }
0x91: {  	v0 =	vadd.f32 v3, v0  }
0x92: {  	v3 =	vld [tilespmem:s20+$0xA0]  }
0x93: {  	v0 =	vadd.f32 v1, v0  }
0x94: {  	v1 =	vld [tilespmem:s20+$0xE0]  }
0x95: {  	v0 =	vadd.f32 v2, v0  }
0x96: {  	v2 =	vld [tilespmem:s20+$0x120]  }
0x97: {  	v0 =	vadd.f32 v3, v0  }
0x98: {  	v3 =	vld [tilespmem:s20+$0x160]  }
0x99: {  	v0 =	vadd.f32 v1, v0  }
0x9a: {  	v1 =	vld [tilespmem:s20+$0x1A0]  }
0x9b: {  	v0 =	vadd.f32 v2, v0  }
0x9c: {  	v2 =	vld [tilespmem:s20+$0x1E0]  }
0x9d: {  	v0 =	vadd.f32 v3, v0  }
0x9e: {  	v3 =	vld [tilespmem:s20+$0x220]  }
0x9f: {  	v0 =	vadd.f32 v1, v0  }
0xa0: {  	v1 =	vld [tilespmem:s20+$0x260]  }
0xa1: {  	v0 =	vadd.f32 v2, v0;
	_ =	sdelay $0x1  }
0xa2: {  	v0 =	vadd.f32 v3, v0;
	_ =	sdelay $0x1  }
0xa3: {  	v0 =	vadd.f32 v1, v0;
	_ =	sdelay $0x1  }
0xa4: {  	[tilespmem:s21+$0xA2A0] =	vst v0  }
0xa5: {  	v0 =	vld [tilespmem:s20+$0xFFFFFDB0];
	_ =	sdelay $0x1  }
0xa6: {  	v1 =	vld [tilespmem:s20+$0xFFFFFDF0];
	_ =	sdelay $0x1  }
0xa7: {  	v2 =	vld [tilespmem:s20+$0xFFFFFE30]  }
0xa8: {  	v0 =	vadd.f32 $0.0e+00, v0  }
0xa9: {  	v3 =	vld [tilespmem:s20+$0xFFFFFE70]  }
0xaa: {  	v0 =	vadd.f32 v1, v0  }
0xab: {  	v1 =	vld [tilespmem:s20+$0xFFFFFEB0]  }
0xac: {  	v0 =	vadd.f32 v2, v0  }
0xad: {  	v2 =	vld [tilespmem:s20+$0xFFFFFEF0]  }
0xae: {  	v0 =	vadd.f32 v3, v0  }
0xaf: {  	v3 =	vld [tilespmem:s20+$0xFFFFFF30]  }
0xb0: {  	v0 =	vadd.f32 v1, v0  }
0xb1: {  	v1 =	vld [tilespmem:s20+$0xFFFFFF70]  }
0xb2: {  	v0 =	vadd.f32 v2, v0  }
0xb3: {  	v2 =	vld [tilespmem:s20+$0xFFFFFFB0]  }
0xb4: {  	v0 =	vadd.f32 v3, v0  }
0xb5: {  	v3 =	vld [tilespmem:s20+$0xFFFFFFF0]  }
0xb6: {  	v0 =	vadd.f32 v1, v0  }
0xb7: {  	v1 =	vld [tilespmem:s20+$0x30]  }
0xb8: {  	v0 =	vadd.f32 v2, v0  }
0xb9: {  	v2 =	vld [tilespmem:s20+$0x70]  }
0xba: {  	v0 =	vadd.f32 v3, v0  }
0xbb: {  	v3 =	vld [tilespmem:s20+$0xB0]  }
0xbc: {  	v0 =	vadd.f32 v1, v0  }
0xbd: {  	v1 =	vld [tilespmem:s20+$0xF0]  }
0xbe: {  	v0 =	vadd.f32 v2, v0  }
0xbf: {  	v2 =	vld [tilespmem:s20+$0x130]  }
0xc0: {  	v0 =	vadd.f32 v3, v0  }
0xc1: {  	v3 =	vld [tilespmem:s20+$0x170]  }
0xc2: {  	v0 =	vadd.f32 v1, v0  }
0xc3: {  	v1 =	vld [tilespmem:s20+$0x1B0]  }
0xc4: {  	v0 =	vadd.f32 v2, v0  }
0xc5: {  	v2 =	vld [tilespmem:s20+$0x1F0]  }
0xc6: {  	v0 =	vadd.f32 v3, v0  }
0xc7: {  	v3 =	vld [tilespmem:s20+$0x230]  }
0xc8: {  	v0 =	vadd.f32 v1, v0  }
0xc9: {  	v1 =	vld [tilespmem:s20+$0x270]  }
0xca: {  	v0 =	vadd.f32 v2, v0;
	_ =	sdelay $0x1  }
0xcb: {  	v0 =	vadd.f32 v3, v0;
	_ =	sdelay $0x1  }
0xcc: {  	s22 =	simm.s32 $0x100;
	v0 =	vadd.f32 v1, v0  }
.LBB2_2:
0xcd: {  	p0 =	sne.s32 s22, $0x1F00  }
0xce: {  	s20 =	sadd.s32 $0x500, s20;
	[tilespmem:s21+$0xA2B0] =	vst v0;
	s21 =	smov.u32 s22;
	s22 =	sadd.s32 $0x100, s22  }
0xcf: {  	v0 =	vld [tilespmem:s20+$0xFFFFFD80];
	_ =	sdelay $0x1  }
0xd0: {  	v1 =	vld [tilespmem:s20+$0xFFFFFDC0];
	_ =	sdelay $0x1  }
0xd1: {  	v2 =	vld [tilespmem:s20+$0xFFFFFE00]  }
0xd2: {  	v0 =	vadd.f32 $0.0e+00, v0  }
0xd3: {  	v3 =	vld [tilespmem:s20+$0xFFFFFE40]  }
0xd4: {  	v0 =	vadd.f32 v1, v0  }
0xd5: {  	v1 =	vld [tilespmem:s20+$0xFFFFFE80]  }
0xd6: {  	v0 =	vadd.f32 v2, v0  }
0xd7: {  	v2 =	vld [tilespmem:s20+$0xFFFFFEC0]  }
0xd8: {  	v0 =	vadd.f32 v3, v0  }
0xd9: {  	v3 =	vld [tilespmem:s20+$0xFFFFFF00]  }
0xda: {  	v0 =	vadd.f32 v1, v0  }
0xdb: {  	v1 =	vld [tilespmem:s20+$0xFFFFFF40]  }
0xdc: {  	v0 =	vadd.f32 v2, v0  }
0xdd: {  	v2 =	vld [tilespmem:s20+$0xFFFFFF80]  }
0xde: {  	v0 =	vadd.f32 v3, v0  }
0xdf: {  	v3 =	vld [tilespmem:s20+$0xFFFFFFC0]  }
0xe0: {  	v0 =	vadd.f32 v1, v0  }
0xe1: {  	v1 =	vld [tilespmem:s20+$0x0]  }
0xe2: {  	v0 =	vadd.f32 v2, v0  }
0xe3: {  	v2 =	vld [tilespmem:s20+$0x40]  }
0xe4: {  	v0 =	vadd.f32 v3, v0  }
0xe5: {  	v3 =	vld [tilespmem:s20+$0x80]  }
0xe6: {  	v0 =	vadd.f32 v1, v0  }
0xe7: {  	v1 =	vld [tilespmem:s20+$0xC0]  }
0xe8: {  	v0 =	vadd.f32 v2, v0  }
0xe9: {  	v2 =	vld [tilespmem:s20+$0x100]  }
0xea: {  	v0 =	vadd.f32 v3, v0  }
0xeb: {  	v3 =	vld [tilespmem:s20+$0x140]  }
0xec: {  	v0 =	vadd.f32 v1, v0  }
0xed: {  	v1 =	vld [tilespmem:s20+$0x180]  }
0xee: {  	v0 =	vadd.f32 v2, v0  }
0xef: {  	v2 =	vld [tilespmem:s20+$0x1C0]  }
0xf0: {  	v0 =	vadd.f32 v3, v0  }
0xf1: {  	v3 =	vld [tilespmem:s20+$0x200]  }
0xf2: {  	v0 =	vadd.f32 v1, v0  }
0xf3: {  	v1 =	vld [tilespmem:s20+$0x240]  }
0xf4: {  	v0 =	vadd.f32 v2, v0;
	_ =	sdelay $0x1  }
0xf5: {  	v0 =	vadd.f32 v3, v0;
	_ =	sdelay $0x1  }
0xf6: {  	v0 =	vadd.f32 v1, v0  }
0xf7: {  	s21 =	sshra.s32 s21, $0x2  }
0xf8: {  	[tilespmem:s21+$0xA280] =	vst v0  }
0xf9: {  	v0 =	vld [tilespmem:s20+$0xFFFFFD90];
	_ =	sdelay $0x1  }
0xfa: {  	v1 =	vld [tilespmem:s20+$0xFFFFFDD0];
	_ =	sdelay $0x1  }
0xfb: {  	v2 =	vld [tilespmem:s20+$0xFFFFFE10]  }
0xfc: {  	v0 =	vadd.f32 $0.0e+00, v0  }
0xfd: {  	v3 =	vld [tilespmem:s20+$0xFFFFFE50]  }
0xfe: {  	v0 =	vadd.f32 v1, v0  }
0xff: {  	v1 =	vld [tilespmem:s20+$0xFFFFFE90]  }
0x100: {  	v0 =	vadd.f32 v2, v0  }
0x101: {  	v2 =	vld [tilespmem:s20+$0xFFFFFED0]  }
0x102: {  	v0 =	vadd.f32 v3, v0  }
0x103: {  	v3 =	vld [tilespmem:s20+$0xFFFFFF10]  }
0x104: {  	v0 =	vadd.f32 v1, v0  }
0x105: {  	v1 =	vld [tilespmem:s20+$0xFFFFFF50]  }
0x106: {  	v0 =	vadd.f32 v2, v0  }
0x107: {  	v2 =	vld [tilespmem:s20+$0xFFFFFF90]  }
0x108: {  	v0 =	vadd.f32 v3, v0  }
0x109: {  	v3 =	vld [tilespmem:s20+$0xFFFFFFD0]  }
0x10a: {  	v0 =	vadd.f32 v1, v0  }
0x10b: {  	v1 =	vld [tilespmem:s20+$0x10]  }
0x10c: {  	v0 =	vadd.f32 v2, v0  }
0x10d: {  	v2 =	vld [tilespmem:s20+$0x50]  }
0x10e: {  	v0 =	vadd.f32 v3, v0  }
0x10f: {  	v3 =	vld [tilespmem:s20+$0x90]  }
0x110: {  	v0 =	vadd.f32 v1, v0  }
0x111: {  	v1 =	vld [tilespmem:s20+$0xD0]  }
0x112: {  	v0 =	vadd.f32 v2, v0  }
0x113: {  	v2 =	vld [tilespmem:s20+$0x110]  }
0x114: {  	v0 =	vadd.f32 v3, v0  }
0x115: {  	v3 =	vld [tilespmem:s20+$0x150]  }
0x116: {  	v0 =	vadd.f32 v1, v0  }
0x117: {  	v1 =	vld [tilespmem:s20+$0x190]  }
0x118: {  	v0 =	vadd.f32 v2, v0  }
0x119: {  	v2 =	vld [tilespmem:s20+$0x1D0]  }
0x11a: {  	v0 =	vadd.f32 v3, v0  }
0x11b: {  	v3 =	vld [tilespmem:s20+$0x210]  }
0x11c: {  	v0 =	vadd.f32 v1, v0  }
0x11d: {  	v1 =	vld [tilespmem:s20+$0x250]  }
0x11e: {  	v0 =	vadd.f32 v2, v0;
	_ =	sdelay $0x1  }
0x11f: {  	v0 =	vadd.f32 v3, v0;
	_ =	sdelay $0x1  }
0x120: {  	v0 =	vadd.f32 v1, v0;
	_ =	sdelay $0x1  }
0x121: {  	[tilespmem:s21+$0xA290] =	vst v0  }
0x122: {  	v0 =	vld [tilespmem:s20+$0xFFFFFDA0];
	_ =	sdelay $0x1  }
0x123: {  	v1 =	vld [tilespmem:s20+$0xFFFFFDE0];
	_ =	sdelay $0x1  }
0x124: {  	v2 =	vld [tilespmem:s20+$0xFFFFFE20]  }
0x125: {  	v0 =	vadd.f32 $0.0e+00, v0  }
0x126: {  	v3 =	vld [tilespmem:s20+$0xFFFFFE60]  }
0x127: {  	v0 =	vadd.f32 v1, v0  }
0x128: {  	v1 =	vld [tilespmem:s20+$0xFFFFFEA0]  }
0x129: {  	v0 =	vadd.f32 v2, v0  }
0x12a: {  	v2 =	vld [tilespmem:s20+$0xFFFFFEE0]  }
0x12b: {  	v0 =	vadd.f32 v3, v0  }
0x12c: {  	v3 =	vld [tilespmem:s20+$0xFFFFFF20]  }
0x12d: {  	v0 =	vadd.f32 v1, v0  }
0x12e: {  	v1 =	vld [tilespmem:s20+$0xFFFFFF60]  }
0x12f: {  	v0 =	vadd.f32 v2, v0  }
0x130: {  	v2 =	vld [tilespmem:s20+$0xFFFFFFA0]  }
0x131: {  	v0 =	vadd.f32 v3, v0  }
0x132: {  	v3 =	vld [tilespmem:s20+$0xFFFFFFE0]  }
0x133: {  	v0 =	vadd.f32 v1, v0  }
0x134: {  	v1 =	vld [tilespmem:s20+$0x20]  }
0x135: {  	v0 =	vadd.f32 v2, v0  }
0x136: {  	v2 =	vld [tilespmem:s20+$0x60]  }
0x137: {  	v0 =	vadd.f32 v3, v0  }
0x138: {  	v3 =	vld [tilespmem:s20+$0xA0]  }
0x139: {  	v0 =	vadd.f32 v1, v0  }
0x13a: {  	v1 =	vld [tilespmem:s20+$0xE0]  }
0x13b: {  	v0 =	vadd.f32 v2, v0  }
0x13c: {  	v2 =	vld [tilespmem:s20+$0x120]  }
0x13d: {  	v0 =	vadd.f32 v3, v0  }
0x13e: {  	v3 =	vld [tilespmem:s20+$0x160]  }
0x13f: {  	v0 =	vadd.f32 v1, v0  }
0x140: {  	v1 =	vld [tilespmem:s20+$0x1A0]  }
0x141: {  	v0 =	vadd.f32 v2, v0  }
0x142: {  	v2 =	vld [tilespmem:s20+$0x1E0]  }
0x143: {  	v0 =	vadd.f32 v3, v0  }
0x144: {  	v3 =	vld [tilespmem:s20+$0x220]  }
0x145: {  	v0 =	vadd.f32 v1, v0  }
0x146: {  	v1 =	vld [tilespmem:s20+$0x260]  }
0x147: {  	v0 =	vadd.f32 v2, v0;
	_ =	sdelay $0x1  }
0x148: {  	v0 =	vadd.f32 v3, v0;
	_ =	sdelay $0x1  }
0x149: {  	v0 =	vadd.f32 v1, v0;
	_ =	sdelay $0x1  }
0x14a: {  	[tilespmem:s21+$0xA2A0] =	vst v0  }
0x14b: {  	v0 =	vld [tilespmem:s20+$0xFFFFFDB0]  }
0x14c: {  	v1 =	vld [tilespmem:s20+$0xFFFFFDF0]  }
0x14d: {  	v2 =	vld [tilespmem:s20+$0xFFFFFE30]  }
0x14e: {  	v3 =	vld [tilespmem:s20+$0xFFFFFE70]  }
0x14f: {  	v4 =	vld [tilespmem:s20+$0xFFFFFEB0]  }
0x150: {  	v0 =	vadd.f32 $0.0e+00, v0;
	v5 =	vld [tilespmem:s20+$0xFFFFFEF0]  }
0x151: {  	v6 =	vld [tilespmem:s20+$0xFFFFFF30]  }
0x152: {  	v0 =	vadd.f32 v1, v0;
	v1 =	vld [tilespmem:s20+$0xFFFFFF70]  }
0x153: {  	v7 =	vld [tilespmem:s20+$0xFFFFFFB0]  }
0x154: {  	v0 =	vadd.f32 v2, v0;
	v2 =	vld [tilespmem:s20+$0xFFFFFFF0]  }
0x155: {  	v8 =	vld [tilespmem:s20+$0x30]  }
0x156: {  	v0 =	vadd.f32 v3, v0;
	v3 =	vld [tilespmem:s20+$0x70]  }
0x157: {  	v9 =	vld [tilespmem:s20+$0xB0]  }
0x158: {  	v0 =	vadd.f32 v4, v0;
	v4 =	vld [tilespmem:s20+$0xF0]  }
0x159: {  	v10 =	vld [tilespmem:s20+$0x130]  }
0x15a: {  	v0 =	vadd.f32 v5, v0;
	v5 =	vld [tilespmem:s20+$0x170]  }
0x15b: {  	v11 =	vld [tilespmem:s20+$0x1B0]  }
0x15c: {  	v0 =	vadd.f32 v6, v0;
	v6 =	vld [tilespmem:s20+$0x1F0]  }
0x15d: {  	v12 =	vld [tilespmem:s20+$0x230]  }
0x15e: {  	v0 =	vadd.f32 v1, v0;
	v1 =	vld [tilespmem:s20+$0x270];
	_ =	sdelay $0x1  }
0x15f: {  	v0 =	vadd.f32 v7, v0;
	_ =	sdelay $0x1  }
0x160: {  	v0 =	vadd.f32 v2, v0;
	_ =	sdelay $0x1  }
0x161: {  	v0 =	vadd.f32 v8, v0;
	_ =	sdelay $0x1  }
0x162: {  	v0 =	vadd.f32 v3, v0;
	_ =	sdelay $0x1  }
0x163: {  	v0 =	vadd.f32 v9, v0;
	_ =	sdelay $0x1  }
0x164: {  	v0 =	vadd.f32 v4, v0;
	_ =	sdelay $0x1  }
0x165: {  	v0 =	vadd.f32 v10, v0;
	_ =	sdelay $0x1  }
0x166: {  	v0 =	vadd.f32 v5, v0;
	_ =	sdelay $0x1  }
0x167: {  	v0 =	vadd.f32 v11, v0;
	_ =	sdelay $0x1  }
.Ltmp0:
0x168: {  	v0 =	vadd.f32 v6, v0;
	(pc) =	sbr.rel @p0 .LBB2_2-.Ltmp0, $3  }
0x169: {  	_ = 	snop  }
0x16a: {  	v0 =	vadd.f32 v12, v0;
	_ =	sdelay $0x1  }
0x16b: {  	v0 =	vadd.f32 v1, v0  }
0x16c: {  	s19 =	sadd.s32 $0x1, s19  }
0x16d: {  	p0 =	sne.s32 s19, s6  }
.Ltmp1:
0x16e: {  	[tilespmem:s21+$0xA2B0] =	vst v0;
	(pc) =	sbr.rel @p0 .LBB2_1-.Ltmp1, $4  }
0x16f: {  	[hbm4b:s5+s2] =	stream.linear.scatter [tilespmem:s18], [sflag:$0x2], $0x800, $0x38;
	[tilespmem:$0xAA80] =	vst v63  }
0x170: {  	_ =	swait.ge [sflag:s7], $0x800  }
0x171: {  	[sflag:s7] =	ssyncset.done $0x0  }
0x172: {  	[sflag:s7] =	ssyncadd.s32 $0xFFFFF800  }
0x173: {  	_ =	sfence.sel $0x180000  }
0x174: {  	[bflag:$0x0] =	sbarrier.arrive $0xFFFF  }
0x175: {  	p0 =	sne.s32 s0, $0x0;
	_ =	strace $0x90000047  }
0x176: {  	s0 =	sadd.s32 @!p0 $0x100000, s1;
	[bflag:$0x2] =	sbarrier.arrive $0xFFFF  }
0x177: {  	[sflag:s0] =	ssyncadd.tile.s32 @!p0 $0x1;
	_ =	shalt  }
.Lfunc_end2:
_tile_overlayer_lowered:
.L_overlay_start_2:
0x178: {  	(tag) =	ssettag $0x2  }
0x179: {  	s0 =	rddreg [dreg:$0x0];
	s2 =	stileid.u32  }
0x17a: {  	s1 =	rddreg [dreg:$0x1];
	p0 =	sne.s32 s2, $0x0  }
0x17b: {  	s3 =	rddreg [dreg:$0x2];
	[bflag:$0x3] =	sbarrier.arrive $0xFFFF;
	s2 =	simm.s32 @!p0 $0x1C02  }
0x17c: {  	[timem:s3], [sflag:s2] =	dma.local @!p0 [hbm:s0], s1  }
0x17d: {  	s0 =	simm.s32 @!p0 $0x2  }
0x17e: {  	_ =	swait.ge @!p0 [sflag:s0], s1  }
0x17f: {  	s1 =	ssub.s32 @!p0 $0x0, s1;
	[sflag:s0] =	ssyncset.done @!p0 $0x0  }
0x180: {  	[sflag:s0] =	ssyncadd.s32 @!p0 s1  }
0x181: {  	[bflag:$0x3] =	sbarrier.arrive $0xFFFF  }
0x182: {  	_ =	shalt  }

// kernel: sparse-core-data-format-call.cloned.1.call-start
scs
called_computation_lowered:
.L_overlay_start_0:
0x0: {  	s2 =	sld [smem:$0x3FD9]  }
0x1: {  	s3 =	sld [smem:$0x3FFE];
	_ =	sdelay $0x1  }
0x2: {  	s1 =	srdreg.scid  }
0x3: {  	s0 =	sand.u32 $0x1, s1  }
0x4: {  	s18 =	sshll.u32 s0, $0xA;
	s2 =	sadd.s32 s3, s2  }
0x5: {  	s2 =	sadd.s32 s2, s18  }
0x6: {  	[smem:$0x3FC5] =	sst s2  }
0x7: {  	_ = 	snop  }
0x8: {  	s2 =	sld [smem:$0x3FD0];
	(tm) =	ssettm $0x1  }
0x9: {  	s19 =	sld [smem:$0x3FFB];
	_ =	sdelay $0x3  }
0xa: {  	_ =	strace s19  }
0xb: {  	s3 =	sld [smem:$0x3FFC];
	_ =	sdelay $0x3  }
0xc: {  	_ =	strace s3  }
0xd: {  	s3 =	sld [smem:$0x3FFD];
	_ =	sdelay $0x3  }
0xe: {  	_ =	strace s3  }
0xf: {  	_ =	strace $0x8FFFFFFF  }
0x10: {  	s20 =	sld [smem:$0x3FDB];
	_ =	sdelay $0x1  }
0x11: {  	s4 =	simm.s32 $_scs_section_size  }
0x12: {  	s5 =	simm.s32 $_size__tile_overlayer_lowered;
	s6 =	simm.s32 $_tile_overlayer_lowered  }
0x13: {  	s23 =	simm.s32 $0x1BFF;
	s22 =	sshll.u32 s6, $0x1;
	s3 =	sadd.s32 s4, s20  }
0x14: {  	s7 =	simm.s32 $0x0;
	s21 =	sshll.u32 s5, $0x1;
	s5 =	sadd.s32 s22, s3  }
0x15: {  	[timem:s7], [sflag:s23] =	dma.local [hbm:s5], s21  }
0x16: {  	_ =	swait.ge [sflag:s23], s21  }
0x17: {  	s4 =	ssub.s32 $0x0, s21;
	[sflag:s23] =	ssyncset.done $0x0  }
0x18: {  	[sflag:s23] =	ssyncadd.s32 s4;
	_ =	sdelay $0x1  }
0x19: {  	s24 =	simm.s32 $0x1B8B  }
0x1a: {  	_ =	swait.ge [sflag:s24], $0x1  }
0x1b: {  	[sflag:s24] =	ssyncset.done $0x0  }
0x1c: {  	s26 =	simm.s32 $0x1B8E;
	s25 =	sld [smem:$0x3FFE];
	[sflag:s24] =	ssyncadd.s32 $0xFFFFFFFF  }
0x1d: {  	s27 =	simm.s32 $execute0_lowered;
	[smem:$0x3FD2] =	sst s26  }
0x1e: {  	s5 =	sshll.u32 s27, $0x1;
	_ =	strace $0x80000049;
	[dreg:$0x1] =	wrdreg $0xFFFFFFFF  }
0x1f: {  	s28 =	simm.s32 $_size_execute0_lowered;
	s3 =	sadd.s32 s3, s5;
	[dreg:$0x0] =	wrdreg $0x0  }
0x20: {  	s5 =	sshll.u32 s28, $0x1;
	[dreg:$0x2] =	wrdreg s3  }
0x21: {  	[dreg:$0x3] =	wrdreg s5  }
0x22: {  	[dreg:$0x4] =	wrdreg $0xC0  }
0x23: {  	_ =	task [dreg:s7], $0x5FFFF  }
0x24: {  	[dreg:$0x1] =	wrdreg $0xFFFFFFFF  }
0x25: {  	[dreg:$0x0] =	wrdreg $0x60  }
0x26: {  	[dreg:$0x2] =	wrdreg s25  }
0x27: {  	[dreg:$0x3] =	wrdreg s2  }
0x28: {  	[dreg:$0x4] =	wrdreg $0x9  }
0x29: {  	_ =	task.clear_ibuf [dreg:s7], $0x5FFFF;
	_ =	strace $0x90000049  }
0x2a: {  	s29 =	simm.s32 $0x9;
	_ =	strace $0x8000004B  }
0x2b: {  	_ =	swait.ge [sflag:s29], $0x1  }
0x2c: {  	[sflag:s29] =	ssyncadd.s32 $0xFFFFFFFF  }
0x2d: {  	_ =	strace $0x9000004B  }
0x2e: {  	_ =	sfence  }
0x2f: {  	s30 =	sld [smem:$0x0];
	_ =	sdelay $0x2  }
0x30: {  	s31 =	sshll.u32 s1, $0xD;
	s1 =	sshrl.u32 s1, $0x2  }
0x31: {  	s3 =	sand.u32 $0x4000, s31;
	s1 =	sadd.s32 s1, s30  }
0x32: {  	s0 =	sor.u32 s3, s0;
	s1 =	sshll.u32 s1, $0x11  }
0x33: {  	s0 =	sor.u32 s1, s0  }
0x34: {  	s0 =	sadd.s32 $0x8F2B, s0  }
0x35: {  	[sflag:s0] =	ssyncadd.remote.s32 $0x1  }
0x36: {  	_ =	sfence.sel $0xFFFF  }
0x37: {  	[dreg:$0x0] =	wrdreg $0xFFFFFFFF;
	(pc) =	sbr.abs _section_cstart, $3  }
0x38: {  	[dreg:$0x1] =	wrdreg $0xFFFFFFFF  }
0x39: {  	_ =	task.clear_ibuf [dreg:s7], $0x2FFFF;
	_ =	strace $0x9FFFFFFF  }
0x3a: {  	(tm) =	ssettm $0x7FFFFFFF  }
0x3b: {  	_ =	shalt  }
tec
execute0_lowered:
.L_overlay_start_1:
0x0: {  	(tag) =	ssettag $0x1  }
0x1: {  	s0 =	stileid.u32  }
0x2: {  	s2 =	srdreg.scid;
	s7 =	rddreg [dreg:$0x0]  }
0x3: {  	s6 =	simm.s32 $0x1;
	s31 =	simm.s32 $0x2;
	s16 =	simm.s32 $0x0  }
0x4: {  	s9 =	simm.s32 $0x2000;
	s15 =	simm.s32 $0x0;
	s10 =	simm.s32 $0x0  }
0x5: {  	s11 =	simm.s32 $0x0;
	s14 =	simm.s32 $0x0;
	s1 =	sshll.u32 s0, $0x7  }
0x6: {  	s3 =	sshll.u32 s0, $0x4;
	s2 =	sshll.u32 s2, $0x8;
	s1 =	sand.u32 $0x380, s1  }
0x7: {  	s7 =	sadd.s32 $0x6400, s7;
	s2 =	sor.u32 s3, s2;
	s5 =	ssub.s32 $0x400, s1  }
0x8: {  	s3 =	rddreg [dreg:$0x1];
	s4 =	sand.u32 $0x180, s2;
	s29 =	sand.u32 $0x380, s5  }
0x9: {  	s30 =	ssub.s32 $0x18680, s4;
	s5 =	sshrl.u32 s5, $0xA;
	p0 =	sne.s32 s29, $0x0  }
.Ltmp0:
0xa: {  	s8 =	sshrl.u32 s30, $0x9;
	s6 =	simm.s32 @!p0 $0x0;
	(pc) =	sbr.rel .LBB1_1-.Ltmp0, $4  }
0xb: {  	s2 =	rddreg [dreg:$0x2];
	s8 =	sadd.s32 $0x1, s8;
	s6 =	sadd.s32 s6, s5  }
0xc: {  	_ =	strace $0x8000004A;
	s5 =	simm.s32 $0x1;
	s6 =	smul.u32 s6, s8  }
0xd: {  	s13 =	smov.u32 s1;
	s12 =	smov.u32 s4;
	[sflag:s5] =	ssyncpa.u1 $0x0  }
0xe: {  	p0 =	por $0x0, $0x0;
	[sflag:s31] =	ssyncpa.u1 $0x0;
	s8 =	sadd.s32 $0x1, s6  }
.LBB1_4:
0xf: {  	s21 =	sshra.s32 s21, $0x2;
	s27 =	sshll.u32 s10, $0xA;
	s22 =	sshll.u32 s11, $0x3  }
0x10: {  	s23 =	sshll.u32 s10, $0x7;
	s24 =	sand.u32 $0x78, s11;
	p1 =	sgt.s32 s10, $0x18620  }
0x11: {  	s25 =	sshra.s32 s10, $0x1F;
	s26 =	sshra.s32 s11, $0x1F;
	s20 =	sadd.s32 s21, s20  }
0x12: {  	v5 =	vld [tilespmem:s18+$0xFFFFFFD0];
	[tilespmem:s19+$0x2040 ss:$0x81] =	vst.msk $0xffff, v4;
	s21 =	sand.u32 $0xFFFFE000, s27;
	s22 =	sand.u32 $0xFFFFFC00, s22;
	s28 =	sand.u32 $0x380, s23  }
0x13: {  	v58 =	vld [tilespmem:s18+$0xFFFFFFE0];
	[tilespmem:s19+$0x2850 ss:$0x81] =	vst.msk $0xffff, v3;
	s23 =	smov.u32 s10;
	s30 =	sand.u32 s25, s10;
	s25 =	smov.u32 s11  }
0x14: {  	v59 =	vld [tilespmem:s18+$0xFFFFFFF0];
	[tilespmem:s19+$0x3060 ss:$0x81] =	vst.msk $0xffff, v2;
	s31 =	sand.u32 s26, s11;
	s21 =	sadd.s32 s22, s21;
	s22 =	sor.u32 s24, s28  }
0x15: {  	v60 =	vld [tilespmem:s18+$0x0];
	[tilespmem:s19+$0x0 ss:$0x81] =	vst.msk $0xffff, v1;
	s23 =	simm.s32 @!p1 $0x18620;
	p1 =	sgt.s32 s11, $0x380;
	s21 =	sshrl.u32 s21, $0xA  }
0x16: {  	v61 =	vld [tilespmem:s18+$0x10];
	[tilespmem:s20+$0x3870 ss:$0x81] =	vst.msk $0xffff, v0;
	s19 =	ssub.s32 s23, s30;
	s25 =	simm.s32 @!p1 $0x380;
	s29 =	smulhi.u32 $0x53E2D7, s21  }
0x17: {  	v62 =	vld [tilespmem:s18+$0x20];
	s23 =	ssub.s32 s25, s31;
	s26 =	sadd.s32 $0xFFFE79E0, s19;
	s19 =	ssub.s32 $0x186A0, s19;
	[tilespmem:s20+$0x810 ss:$0x81] =	vst.msk $0xffff, v5  }
0x18: {  	v63 =	vld [tilespmem:s18+$0xFFFFFFC0];
	[tilespmem:s20+$0x1020 ss:$0x81] =	vst.msk $0xffff, v58;
	p1 =	sgt.s32 s26, $0x7F;
	s28 =	sadd.s32 $0xFFFFFC80, s23;
	s24 =	sshrl.u32 s29, $0x7  }
0x19: {  	[tilespmem:s20+$0x1830 ss:$0x81] =	vst.msk $0xffff, v59;
	s23 =	ssub.s32 $0x400, s23;
	p2 =	sgt.s32 s28, $0x7F;
	s27 =	smul.u32 $0x186A0, s24  }
0x1a: {  	s30 =	sand.u32 $0x7, s11;
	[tilespmem:s20+$0x2040 ss:$0x81] =	vst.msk $0xffff, v60;
	s19 =	simm.s32 @p1 $0x0;
	s23 =	simm.s32 @p2 $0x0  }
0x1b: {  	[tilespmem:s20+$0x2850 ss:$0x81] =	vst.msk $0xffff, v61;
	s29 =	sshrl.u32 s22, $0x3;
	s19 =	smul.u32 s23, s19;
	s18 =	ssub.s32 s21, s27  }
0x1c: {  	[tilespmem:s20+$0x3060 ss:$0x81] =	vst.msk $0xffff, v62;
	s22 =	sshll.u32 s30, $0x12;
	s21 =	sadd.s32 s3, s29;
	s18 =	sshll.u32 s18, $0x7  }
0x1d: {  	[tilespmem:s20+$0x0 ss:$0x81] =	vst.msk $0xffff, v63;
	s31 =	sor.u32 $0x400, s22;
	s19 =	sand.u32 $0x3FFFFFFF, s19;
	s18 =	sadd.s32 s18, s21  }
0x1e: {  	[hbm4b:s18+s31] =	stream.strided.scatter [tilespmem:s17], [sflag:$0x2], s19, s9, s31, $0x20;
	[tilespmem:$0x10100] =	vst v63  }
.LBB1_5:
0x1f: {  	p1 =	slt.u32 s14, $0x2  }
0x20: {  	s18 =	smov.u32 s16;
	p2 =	sgt.s32 @!p1 s16, $0x18620;
	s17 =	sshra.s32 @!p1 s16, $0x1F  }
0x21: {  	p3 =	sgt.s32 @!p1 s15, $0x380;
	s19 =	sshra.s32 @!p1 s15, $0x1F;
	p2 =	por !p2, p1  }
0x22: {  	s16 =	sand.u32 @!p1 s17, s16;
	p3 =	por !p3, p1;
	s17 =	smov.u32 s15  }
0x23: {  	s15 =	sand.u32 @!p1 s19, s15;
	s18 =	simm.s32 @p2 $0x18620;
	s17 =	simm.s32 @p3 $0x380  }
0x24: {  	s16 =	ssub.s32 @!p1 s18, s16;
	s15 =	ssub.s32 @!p1 s17, s15  }
0x25: {  	s19 =	smov.u32 s13;
	s17 =	sadd.s32 @!p1 $0xFFFE79E0, s16;
	s18 =	sadd.s32 @!p1 $0xFFFFFC80, s15  }
0x26: {  	s16 =	ssub.s32 @!p1 $0x186A0, s16;
	p2 =	sgt.s32 @!p1 s17, $0x7F;
	p3 =	sgt.s32 @!p1 s18, $0x7F  }
0x27: {  	s15 =	ssub.s32 @!p1 $0x400, s15;
	p2 =	por !p2, p1;
	p3 =	por !p3, p1  }
0x28: {  	s17 =	sadd.s32 $0x200, s12;
	s16 =	simm.s32 @!p2 $0x0;
	s15 =	simm.s32 @!p3 $0x0  }
0x29: {  	p2 =	sgt.s32 s17, $0x1869F;
	s15 =	smul.u32 @!p1 s15, s16;
	s16 =	sadd.s32 $0x400, s13  }
0x2a: {  	s19 =	smov.u32 @p2 s16  }
0x2b: {  	s17 =	smov.u32 @p2 s4;
	p2 =	sgt.s32 s19, $0x3FF  }
0x2c: {  	s19 =	smov.u32 @p2 s1;
	p2 =	sne.s32 s14, s8  }
.Ltmp1:
0x2d: {  	p0 =	por !p0, !p0;
	s18 =	simm.s32 @!p1 $0x2;
	(pc) =	sbr.rel @!p2 .LBB1_6-.Ltmp1, $4  }
0x2e: {  	s16 =	smov.u32 s10;
	s10 =	smov.u32 s12;
	s15 =	sand.u32 @!p1 $0x3FFFFFFF, s15  }
0x2f: {  	s12 =	smov.u32 s17;
	_ =	swait.ge @!p1 [sflag:s18], s15;
	s20 =	ssub.s32 @!p1 $0x0, s15  }
0x30: {  	s15 =	smov.u32 s11;
	s14 =	sadd.s32 $0x1, s14;
	[sflag:s18] =	ssyncset.done @!p1 $0x0  }
0x31: {  	s11 =	smov.u32 s13;
	s13 =	smov.u32 s19;
	[sflag:s18] =	ssyncadd.s32 @!p1 s20  }
.LBB1_1:
0x32: {  	p1 =	sge.u32 s14, s6  }
0x33: {  	s17 =	sshrl.u32 @!p1 s13, $0x3  }
0x34: {  	s18 =	sshll.u32 @!p1 s12, $0x3;
	s17 =	smul.u32 @!p1 $0xC3800, s17  }
0x35: {  	s19 =	sshll.u32 @!p1 s13, $0x7;
	s18 =	sand.u32 @!p1 $0xFFFFFC00, s18  }
0x36: {  	s17 =	sadd.s32 @!p1 s17, s18;
	s18 =	sand.u32 @!p1 $0x380, s19  }
0x37: {  	s19 =	sand.u32 @!p1 $0x7F, s12;
	s17 =	sor.u32 @!p1 s18, s17  }
0x38: {  	s18 =	sor.u32 @!p1 s19, s17  }
0x39: {  	s19 =	smulhi.u32 @!p1 $0xA79C7B17, s18;
	_ =	sdelay $0x1  }
0x3a: {  	s17 =	smulhi.u32 @!p1 $0xA79C7B17, s17;
	s19 =	sshrl.u32 @!p1 s19, $0x10  }
0x3b: {  	s19 =	smul.u32 @!p1 $0x18700, s19  }
0x3c: {  	s31 =	sadd.s32 $0xFFFFFFFF, s14;
	s20 =	sxor.u32 @!p1 $0xFFFFFFFF, s14;
	s17 =	sshrl.u32 @!p1 s17, $0x10  }
0x3d: {  	s20 =	sshll.u32 @!p1 s20, $0xE;
	s17 =	sand.u32 @!p1 $0x3FF, s17;
	s18 =	ssub.s32 @!p1 s18, s19  }
0x3e: {  	s17 =	smul.u32 @!p1 $0x30E0, s17;
	s19 =	sshrl.u32 @!p1 s18, $0x3;
	s18 =	sand.u32 @!p1 $0x7, s18  }
0x3f: {  	s20 =	sand.u32 @!p1 $0x4000, s20;
	s19 =	sadd.s32 @!p1 s7, s19;
	s18 =	sshll.u32 @!p1 s18, $0x12  }
0x40: {  	s17 =	sadd.s32 @!p1 s17, s19;
	s18 =	sor.u32 @!p1 $0x400, s18;
	s19 =	simm.s32 @!p1 $0xC3800  }
0x41: {  	[tilespmem:s20], [sflag:$0x1] =	stream.strided.gather @!p1 [hbm4b:s17+s18], $0x4000, s19, s18, $0x38;
	[tilespmem:$0x10100] =	vst v63  }
0x42: {  	p1 =	sge.u32 s31, s6  }
.Ltmp2:
0x43: {  	_ = 	snop;
	(pc) =	sbr.rel @p1 .LBB1_5-.Ltmp2, $1  }
0x44: {  	_ =	sdelay $0x3  }
0x45: {  	s17 =	simm.s32 $0x1  }
0x46: {  	_ =	swait.ge [sflag:s5], $0x4000;
	s17 =	simm.s32 @!p0 $0x0  }
0x47: {  	[sflag:s5] =	ssyncset.done $0x0;
	s18 =	sshll.u32 s17, $0xE  }
0x48: {  	[sflag:s5] =	ssyncadd.s32 $0xFFFFC000;
	s18 =	sor.u32 $0x40, s18  }
0x49: {  	s17 =	smul.u32 $0x10200, s17;
	v0 =	vld [tilespmem:s18+$0x30]  }
0x4a: {  	v1 =	vld [tilespmem:s18+$0xFFFFFFD0]  }
0x4b: {  	s17 =	sshrl.u32 s17, $0x2;
	v5 =	vld [tilespmem:s18+$0xFFFFFFE0]  }
0x4c: {  	v6 =	vld [tilespmem:s18+$0xFFFFFFF0];
	s20 =	sor.u32 $0x8000, s17  }
0x4d: {  	s31 =	sand.u32 $0x1, s14;
	v4 =	vld [tilespmem:s18+$0x0];
	s19 =	sadd.s32 $0x0, s20  }
0x4e: {  	v3 =	vld [tilespmem:s18+$0x10];
	s17 =	smul.u32 $0x10200, s31;
	[tilespmem:s19+$0x3870 ss:$0x81] =	vst.msk $0xffff, v0  }
0x4f: {  	v2 =	vld [tilespmem:s18+$0x20];
	[tilespmem:s19+$0x810 ss:$0x81] =	vst.msk $0xffff, v1  }
0x50: {  	s17 =	sshrl.u32 s17, $0x2;
	v1 =	vld [tilespmem:s18+$0xFFFFFFC0];
	[tilespmem:s19+$0x1020 ss:$0x81] =	vst.msk $0xffff, v5;
	s18 =	sadd.s32 $0x80, s18  }
0x51: {  	s21 =	simm.s32 $0x4;
	s22 =	simm.s32 $0x8;
	s17 =	sor.u32 $0x8000, s17;
	[tilespmem:s19+$0x1830 ss:$0x81] =	vst.msk $0xffff, v6;
	v0 =	vld [tilespmem:s18+$0x30]  }
.LBB1_3:
0x52: {  	p1 =	sne.s32 s22, $0x1FC;
	v5 =	vld [tilespmem:s18+$0xFFFFFFD0];
	[tilespmem:s19+$0x2040 ss:$0x81] =	vst.msk $0xffff, v4  }
0x53: {  	v6 =	vld [tilespmem:s18+$0xFFFFFFE0];
	[tilespmem:s19+$0x2850 ss:$0x81] =	vst.msk $0xffff, v3  }
0x54: {  	s23 =	sshra.s32 s21, $0x2;
	s21 =	smov.u32 s22;
	v7 =	vld [tilespmem:s18+$0xFFFFFFF0];
	[tilespmem:s19+$0x3060 ss:$0x81] =	vst.msk $0xffff, v2  }
.Ltmp3:
0x55: {  	v4 =	vld [tilespmem:s18+$0x0];
	[tilespmem:s19+$0x0 ss:$0x81] =	vst.msk $0xffff, v1;
	s19 =	sadd.s32 s23, s20;
	(pc) =	sbr.rel @p1 .LBB1_3-.Ltmp3, $4  }
0x56: {  	v3 =	vld [tilespmem:s18+$0x10];
	[tilespmem:s19+$0x3870 ss:$0x81] =	vst.msk $0xffff, v0  }
0x57: {  	[tilespmem:s19+$0x810 ss:$0x81] =	vst.msk $0xffff, v5;
	v2 =	vld [tilespmem:s18+$0x20]  }
0x58: {  	v1 =	vld [tilespmem:s18+$0xFFFFFFC0];
	[tilespmem:s19+$0x1020 ss:$0x81] =	vst.msk $0xffff, v6;
	s18 =	sadd.s32 $0x80, s18  }
0x59: {  	s22 =	sadd.s32 $0x4, s22;
	v0 =	vld [tilespmem:s18+$0x30];
	[tilespmem:s19+$0x1830 ss:$0x81] =	vst.msk $0xffff, v7  }
.Ltmp4:
0x5a: {  	_ = 	snop;
	(pc) =	sbr.rel .LBB1_4-.Ltmp4, $1  }
0x5b: {  	_ =	sdelay $0x3  }
.LBB1_6:
0x5c: {  	_ =	sfence.sel $0x180000  }
0x5d: {  	s1 =	simm.s32 $0x1;
	[bflag:$0x0] =	sbarrier.arrive $0xFFFF  }
0x5e: {  	s31 =	simm.s32 $0x2;
	[sflag:s1] =	ssyncpa.u1 $0x1  }
0x5f: {  	[sflag:s31] =	ssyncpa.u1 $0x1  }
0x60: {  	p0 =	sne.s32 s0, $0x0;
	_ =	strace $0x9000004A  }
0x61: {  	s0 =	sadd.s32 @!p0 $0x100000, s2;
	[bflag:$0x2] =	sbarrier.arrive $0xFFFF  }
0x62: {  	[sflag:s0] =	ssyncadd.tile.s32 @!p0 $0x1;
	_ =	shalt  }
.Lfunc_end1:
_tile_overlayer_lowered:
.L_overlay_start_2:
0x63: {  	(tag) =	ssettag $0x2  }
0x64: {  	s0 =	rddreg [dreg:$0x0];
	s2 =	stileid.u32  }
0x65: {  	s1 =	rddreg [dreg:$0x1];
	p0 =	sne.s32 s2, $0x0  }
0x66: {  	s3 =	rddreg [dreg:$0x2];
	[bflag:$0x3] =	sbarrier.arrive $0xFFFF;
	s2 =	simm.s32 @!p0 $0x1C01  }
0x67: {  	[timem:s3], [sflag:s2] =	dma.local @!p0 [hbm:s0], s1  }
0x68: {  	s0 =	simm.s32 @!p0 $0x1  }
0x69: {  	_ =	swait.ge @!p0 [sflag:s0], s1  }
0x6a: {  	s1 =	ssub.s32 @!p0 $0x0, s1;
	[sflag:s0] =	ssyncset.done @!p0 $0x0  }
0x6b: {  	[sflag:s0] =	ssyncadd.s32 @!p0 s1  }
0x6c: {  	[bflag:$0x3] =	sbarrier.arrive $0xFFFF  }
0x6d: {  	_ =	shalt  }

</sc_bundles>
